<compile_context>
chip_gen: v7x
topology: tpu7x:2x2x1
jax: 0.10.2.dev20260603
libtpu: 0.0.44.dev20260713+nightly
codegen_flags: <defaults>
</compile_context>

<pallas_src>
import functools

import jax
import jax.numpy as jnp
from jax import lax
from jax.experimental import pallas as pl
from jax.experimental.pallas import tpu as pltpu
from jax.experimental.pallas import tpu_sc as plsc

_TGT = 30
_N = 512 * 7 * 7
_NW = 32
_RPW = _N // _NW
_EPW = _RPW * _TGT
_GROUPS = _RPW // 16
_CELL = 1.0 / 7.0
_COORD_RATE = 5.0
_NOOBJ_RATE = 0.5


def _sqrt16(x):
    i = plsc.bitcast(x, jnp.int32)
    y = plsc.bitcast((i >> 1) + jnp.int32(0x1FBD1DF5), jnp.float32)
    y = 0.5 * (y + x / y)
    y = 0.5 * (y + x / y)
    y = 0.5 * (y + x / y)
    return y


def _sc_body(p_hbm, t_hbm, out_hbm, p_v, t_v, acc_v):
    wid = lax.axis_index("s") * 2 + lax.axis_index("c")
    base = wid * _RPW
    pltpu.sync_copy(p_hbm.at[pl.ds(base, _RPW)], p_v)
    pltpu.sync_copy(t_hbm.at[pl.ds(base, _RPW)], t_v)
    lane = lax.iota(jnp.int32, 16)

    def group(g, acc):
        rows = g * 16 + lane

        def gp(col):
            return plsc.load_gather(p_v, [rows, jnp.full((16,), col, jnp.int32)])

        def gt(col):
            return plsc.load_gather(t_v, [rows, jnp.full((16,), col, jnp.int32)])

        x0, y0, w0, h0, c0 = gp(0), gp(1), gp(2), gp(3), gp(4)
        x1, y1, w1, h1, c1 = gp(5), gp(6), gp(7), gp(8), gp(9)
        tx, ty, tw, th, tc = gt(0), gt(1), gt(2), gt(3), gt(4)
        obj = tc > 0.0

        tcx = tx * _CELL
        tcy = ty * _CELL
        thw = tw * 0.5
        thh = th * 0.5
        t_lt_x = tcx - thw
        t_lt_y = tcy - thh
        t_rb_x = tcx + thw
        t_rb_y = tcy + thh
        area_t = (t_rb_x - t_lt_x) * (t_rb_y - t_lt_y)

        def iou(x, y, w, h):
            pcx = x * _CELL
            pcy = y * _CELL
            phw = w * 0.5
            phh = h * 0.5
            p_lt_x = pcx - phw
            p_lt_y = pcy - phh
            p_rb_x = pcx + phw
            p_rb_y = pcy + phh
            lt_x = jnp.maximum(p_lt_x, t_lt_x)
            lt_y = jnp.maximum(p_lt_y, t_lt_y)
            rb_x = jnp.minimum(p_rb_x, t_rb_x)
            rb_y = jnp.minimum(p_rb_y, t_rb_y)
            wx = jnp.maximum(rb_x - lt_x, 0.0)
            wy = jnp.maximum(rb_y - lt_y, 0.0)
            inter = wx * wy
            area_p = (p_rb_x - p_lt_x) * (p_rb_y - p_lt_y)
            return inter / (area_p + area_t - inter)

        iou0 = iou(x0, y0, w0, h0)
        iou1 = iou(x1, y1, w1, h1)
        max_iou = jnp.maximum(iou0, iou1)
        neg_inf = jnp.float32(-jnp.inf)
        v0 = jnp.where(iou0 == max_iou, c0, neg_inf)
        v1 = jnp.where(iou1 == max_iou, c1, neg_inf)
        sel1 = v1 > v0

        prx = jnp.where(sel1, x1, x0)
        pry = jnp.where(sel1, y1, y0)
        prw = jnp.where(sel1, w1, w0)
        prh = jnp.where(sel1, h1, h0)
        prc = jnp.where(sel1, c1, c0)
        c_other = jnp.where(sel1, c0, c1)

        dx = prx - tx
        dy = pry - ty
        center = dx * dx + dy * dy
        size = (prw + tw - 2.0 * _sqrt16(prw * tw)
                + prh + th - 2.0 * _sqrt16(prh * th))
        dc = prc - max_iou
        conf_resp = dc * dc
        conf_noresp = c_other * c_other

        label = jnp.zeros((16,), jnp.float32)
        for k in range(10, _TGT):
            d = gp(k) - gt(k)
            label = label + d * d

        obj_terms = (_COORD_RATE * (center + size) + conf_resp
                     + _NOOBJ_RATE * conf_noresp + label)
        noobj_terms = _NOOBJ_RATE * (c0 * c0 + c1 * c1)
        return acc + jnp.where(obj, obj_terms, noobj_terms)

    acc = lax.fori_loop(0, _GROUPS, group, jnp.zeros((16,), jnp.float32))
    acc_v[...] = acc
    pltpu.sync_copy(acc_v, out_hbm.at[pl.ds(wid * 16, 16)])


def kernel(preds, truths):
    mesh = plsc.VectorSubcoreMesh(core_axis_name="c", subcore_axis_name="s")
    partials = functools.partial(
        pl.kernel,
        mesh=mesh,
        compiler_params=pltpu.CompilerParams(
            needs_layout_passes=False, use_tc_tiling_on_sc=False,
            disable_bounds_checks=True, disable_semaphore_checks=True,
            skip_device_barrier=True),
        out_type=jax.ShapeDtypeStruct((_NW * 16,), jnp.float32),
        scratch_types=[
            pltpu.VMEM((_RPW, _TGT), jnp.float32),
            pltpu.VMEM((_RPW, _TGT), jnp.float32),
            pltpu.VMEM((16,), jnp.float32),
        ],
    )(_sc_body)(preds.reshape(_N, _TGT), truths.reshape(_N, _TGT))
    return jnp.sum(partials) / jnp.float32(preds.shape[0])

# --- scband reference (transcript-rebuilt; emitter-appended) ---
"""Pipeline reference for scband-yolo-loss-79259326480918 (READ-ONLY COPY).

The authoritative reference and input builder live on the scoring server;
editing this copy changes nothing except your own understanding.
"""

import jax, jax.numpy as jnp
import numpy as np

GRID_NUM = 7
BOX_NUM = 2
LABEL_NUM = 20
ALL_BOX_NUM = 5 * BOX_NUM
TARGET_NUM = ALL_BOX_NUM + LABEL_NUM
CELL_SIZE = 1.0 / GRID_NUM
COORD_RATE = 5.0
NOOBJ_RATE = 0.5
CONF_COLS = np.arange(4, ALL_BOX_NUM, 5)


def setup_inputs(seed: int = 0) -> dict:
    key = jax.random.key(seed)
    k1, k2 = jax.random.split(key)
    preds = jax.random.uniform(k1, (512, GRID_NUM, GRID_NUM, TARGET_NUM), dtype=jnp.float32)
    truths = jax.random.uniform(k2, (512, GRID_NUM, GRID_NUM, TARGET_NUM), dtype=jnp.float32)
    return {"preds": preds, "truths": truths}


def _loss(preds, truths, obj_mask):
    batch_size = preds.shape[0]
    pf = preds.reshape(-1, TARGET_NUM)
    tf = truths.reshape(-1, TARGET_NUM)
    m = obj_mask.astype(pf.dtype)
    nm = 1.0 - m
    preds_conf_cols = pf[:, jnp.asarray(CONF_COLS)]
    pbox = pf[:, :ALL_BOX_NUM].reshape(-1, BOX_NUM, 5)
    # IOU between each predicted box and the single truth box per obj cell
    pc = pbox[:, :, 0:2] * CELL_SIZE
    ph = pbox[:, :, 2:4] / 2.0
    p_lt = pc - ph
    p_rb = pc + ph
    tc = (tf[:, 0:2] * CELL_SIZE)[:, None, :]
    th = (tf[:, 2:4] / 2.0)[:, None, :]
    t_lt = tc - th
    t_rb = tc + th
    lt = jnp.maximum(p_lt, t_lt)
    rb = jnp.minimum(p_rb, t_rb)
    wh = jnp.maximum(rb - lt, 0.0)
    inter = wh[..., 0] * wh[..., 1]
    area_p = (p_rb[..., 0] - p_lt[..., 0]) * (p_rb[..., 1] - p_lt[..., 1])
    area_t = (t_rb[..., 0] - t_lt[..., 0]) * (t_rb[..., 1] - t_lt[..., 1])
    ious = inter / (area_p + area_t - inter)
    # torch uses max_iou.item() as the conf target (detached) and a boolean selection mask
    ious = jax.lax.stop_gradient(ious)
    conf = pbox[:, :, 4]
    max_iou = jnp.max(ious, axis=1)
    tie = ious == max_iou[:, None]
    sel = jnp.argmax(jnp.where(tie, jax.lax.stop_gradient(conf), -jnp.inf), axis=1)
    onehot = jax.nn.one_hot(sel, BOX_NUM, dtype=conf.dtype)
    pr = jnp.take_along_axis(pbox, sel[:, None, None], axis=1)[:, 0, :]
    tr = tf[:, 0:5]
    center_loss = jnp.sum(((pr[:, 0:2] - tr[:, 0:2]) ** 2) * m[:, None])
    size_loss = jnp.sum(((jnp.sqrt(pr[:, 2:4]) - jnp.sqrt(tr[:, 2:4])) ** 2) * m[:, None])
    conf_obj_response_loss = jnp.sum(((pr[:, 4] - max_iou) ** 2) * m)
    conf_obj_no_response_loss = jnp.sum(((conf * (1.0 - onehot)) ** 2) * m[:, None])
    conf_noobj_loss = jnp.sum((preds_conf_cols ** 2) * nm[:, None])
    label_loss = jnp.sum(((pf[:, ALL_BOX_NUM:] - tf[:, ALL_BOX_NUM:]) ** 2) * m[:, None])
    total = (COORD_RATE * (center_loss + size_loss)
             + conf_obj_response_loss
             + NOOBJ_RATE * conf_obj_no_response_loss
             + NOOBJ_RATE * conf_noobj_loss
             + label_loss) / batch_size
    return total


def reference(preds, truths):
    obj_mask = truths.reshape(-1, TARGET_NUM)[:, 4] > 0
    return _loss(preds, truths, obj_mask)

if __name__ == "__main__":
    import jax
    _d = setup_inputs()
    print(jax.jit(kernel)(*tuple(_d.values())))

</pallas_src>

<mosaic_0001>
#map = affine_map<(d0, d1) -> (0, 0)>
#map1 = affine_map<(d0, d1) -> (0)>
module attributes {stable_mosaic.version = 14 : i64} {
  func.func @_sc_body(%arg0: i32, %arg1: i32, %arg2: memref<25088x30xf32, #tpu.memory_space<hbm>>, %arg3: memref<25088x30xf32, #tpu.memory_space<hbm>>, %arg4: memref<512xf32, #tpu.memory_space<hbm>>, %arg5: memref<784x30xf32, #tpu.memory_space<vmem>>, %arg6: memref<784x30xf32, #tpu.memory_space<vmem>>, %arg7: memref<16xf32, #tpu.memory_space<vmem>>) attributes {dimension_semantics = [#tpu.dimension_semantics<core_parallel>, #tpu.dimension_semantics<subcore_parallel>], iteration_bounds = array<i64: 2, 16>, scalar_prefetch = 0 : i64, scratch_operands = 3 : i64, tpu.core_type = #tpu.core_type<sc_vector_subcore>, window_params = [{transform_indices = #map}, {transform_indices = #map}, {transform_indices = #map1}]} {
    %mul3A = arith.constant 2 : i32
    %mul3A_0 = arith.muli %arg1, %mul3A : i32
    %add3A = arith.addi %mul3A_0, %arg0 : i32
    %mul3A_1 = arith.constant 784 : i32
    %mul3A_2 = arith.muli %add3A, %mul3A_1 : i32
    "tpu.region"() ({
      %run_scoped3A = tpu.sem_alloc : memref<!tpu.dma_semaphore, #tpu.memory_space<semaphore_mem>>
      %dma_start3A = arith.constant 0 : i32
      %dma_start3A_12 = tpu.memref_slice %arg2[%mul3A_2, %dma_start3A] : memref<25088x30xf32, #tpu.memory_space<hbm>> -> memref<784x30xf32, #tpu.memory_space<hbm>>
      %dma_start3A_13 = arith.constant 0 : i32
      %dma_start3A_14 = tpu.memref_slice %arg2[%mul3A_2, %dma_start3A_13] : memref<25088x30xf32, #tpu.memory_space<hbm>> -> memref<784x30xf32, #tpu.memory_space<hbm>>
      tpu.enqueue_dma source(%dma_start3A_14 : memref<784x30xf32, #tpu.memory_space<hbm>>) target(%arg5 : memref<784x30xf32, #tpu.memory_space<vmem>>) target_semaphore(%run_scoped3A : memref<!tpu.dma_semaphore, #tpu.memory_space<semaphore_mem>>)
      %dma_wait3A = arith.constant 0 : i32
      %dma_wait3A_15 = tpu.memref_slice %arg2[%mul3A_2, %dma_wait3A] : memref<25088x30xf32, #tpu.memory_space<hbm>> -> memref<784x30xf32, #tpu.memory_space<hbm>>
      %dma_wait3A_16 = arith.constant 0 : i32
      %dma_wait3A_17 = tpu.memref_slice %arg2[%mul3A_2, %dma_wait3A_16] : memref<25088x30xf32, #tpu.memory_space<hbm>> -> memref<784x30xf32, #tpu.memory_space<hbm>>
      tpu.wait_dma2 semaphore(%run_scoped3A : memref<!tpu.dma_semaphore, #tpu.memory_space<semaphore_mem>>) src(%dma_wait3A_17 : memref<784x30xf32, #tpu.memory_space<hbm>>) dst(%arg5 : memref<784x30xf32, #tpu.memory_space<vmem>>)
      tpu.yield
    }) : () -> ()
    "tpu.region"() ({
      %run_scoped3A = tpu.sem_alloc : memref<!tpu.dma_semaphore, #tpu.memory_space<semaphore_mem>>
      %dma_start3A = arith.constant 0 : i32
      %dma_start3A_12 = tpu.memref_slice %arg3[%mul3A_2, %dma_start3A] : memref<25088x30xf32, #tpu.memory_space<hbm>> -> memref<784x30xf32, #tpu.memory_space<hbm>>
      %dma_start3A_13 = arith.constant 0 : i32
      %dma_start3A_14 = tpu.memref_slice %arg3[%mul3A_2, %dma_start3A_13] : memref<25088x30xf32, #tpu.memory_space<hbm>> -> memref<784x30xf32, #tpu.memory_space<hbm>>
      tpu.enqueue_dma source(%dma_start3A_14 : memref<784x30xf32, #tpu.memory_space<hbm>>) target(%arg6 : memref<784x30xf32, #tpu.memory_space<vmem>>) target_semaphore(%run_scoped3A : memref<!tpu.dma_semaphore, #tpu.memory_space<semaphore_mem>>)
      %dma_wait3A = arith.constant 0 : i32
      %dma_wait3A_15 = tpu.memref_slice %arg3[%mul3A_2, %dma_wait3A] : memref<25088x30xf32, #tpu.memory_space<hbm>> -> memref<784x30xf32, #tpu.memory_space<hbm>>
      %dma_wait3A_16 = arith.constant 0 : i32
      %dma_wait3A_17 = tpu.memref_slice %arg3[%mul3A_2, %dma_wait3A_16] : memref<25088x30xf32, #tpu.memory_space<hbm>> -> memref<784x30xf32, #tpu.memory_space<hbm>>
      tpu.wait_dma2 semaphore(%run_scoped3A : memref<!tpu.dma_semaphore, #tpu.memory_space<semaphore_mem>>) src(%dma_wait3A_17 : memref<784x30xf32, #tpu.memory_space<hbm>>) dst(%arg6 : memref<784x30xf32, #tpu.memory_space<vmem>>)
      tpu.yield
    }) : () -> ()
    %iota3A = tpu.iota {dimensions = array<i32: 0>} : vector<16xi32>
    %broadcast_in_dim3A = arith.constant 0.000000e+00 : f32
    %broadcast_in_dim3A_3 = vector.broadcast %broadcast_in_dim3A : f32 to vector<16xf32>
    %scan3A = arith.constant 0 : i32
    %scan3A_4 = arith.constant 49 : i32
    %scan3A_5 = arith.addi %scan3A, %scan3A_4 : i32
    %scan3A_6 = arith.constant 1 : i32
    %scan3A_7 = scf.for %scan3A_12 = %scan3A to %scan3A_5 step %scan3A_6 iter_args(%scan3A_13 = %broadcast_in_dim3A_3) -> (vector<16xf32>)  : i32 {
      %mul3A_14 = arith.constant 16 : i32
      %mul3A_15 = arith.muli %scan3A_12, %mul3A_14 : i32
      %add3A_16 = vector.broadcast %mul3A_15 : i32 to vector<16xi32>
      %add3A_17 = arith.addi %add3A_16, %iota3A : vector<16xi32>
      %broadcast_in_dim3A_18 = arith.constant 0 : i32
      %broadcast_in_dim3A_19 = vector.broadcast %broadcast_in_dim3A_18 : i32 to vector<16xi32>
      %gather3A = tpu.vector_load_idx %arg5[%add3A_17, %broadcast_in_dim3A_19] : memref<784x30xf32, #tpu.memory_space<vmem>>[vector<16xi32>, vector<16xi32>], vector<16xf32>,
      %broadcast_in_dim3A_20 = arith.constant 1 : i32
      %broadcast_in_dim3A_21 = vector.broadcast %broadcast_in_dim3A_20 : i32 to vector<16xi32>
      %gather3A_22 = tpu.vector_load_idx %arg5[%add3A_17, %broadcast_in_dim3A_21] : memref<784x30xf32, #tpu.memory_space<vmem>>[vector<16xi32>, vector<16xi32>], vector<16xf32>,
      %broadcast_in_dim3A_23 = arith.constant 2 : i32
      %broadcast_in_dim3A_24 = vector.broadcast %broadcast_in_dim3A_23 : i32 to vector<16xi32>
      %gather3A_25 = tpu.vector_load_idx %arg5[%add3A_17, %broadcast_in_dim3A_24] : memref<784x30xf32, #tpu.memory_space<vmem>>[vector<16xi32>, vector<16xi32>], vector<16xf32>,
      %broadcast_in_dim3A_26 = arith.constant 3 : i32
      %broadcast_in_dim3A_27 = vector.broadcast %broadcast_in_dim3A_26 : i32 to vector<16xi32>
      %gather3A_28 = tpu.vector_load_idx %arg5[%add3A_17, %broadcast_in_dim3A_27] : memref<784x30xf32, #tpu.memory_space<vmem>>[vector<16xi32>, vector<16xi32>], vector<16xf32>,
      %broadcast_in_dim3A_29 = arith.constant 4 : i32
      %broadcast_in_dim3A_30 = vector.broadcast %broadcast_in_dim3A_29 : i32 to vector<16xi32>
      %gather3A_31 = tpu.vector_load_idx %arg5[%add3A_17, %broadcast_in_dim3A_30] : memref<784x30xf32, #tpu.memory_space<vmem>>[vector<16xi32>, vector<16xi32>], vector<16xf32>,
      %broadcast_in_dim3A_32 = arith.constant 5 : i32
      %broadcast_in_dim3A_33 = vector.broadcast %broadcast_in_dim3A_32 : i32 to vector<16xi32>
      %gather3A_34 = tpu.vector_load_idx %arg5[%add3A_17, %broadcast_in_dim3A_33] : memref<784x30xf32, #tpu.memory_space<vmem>>[vector<16xi32>, vector<16xi32>], vector<16xf32>,
      %broadcast_in_dim3A_35 = arith.constant 6 : i32
      %broadcast_in_dim3A_36 = vector.broadcast %broadcast_in_dim3A_35 : i32 to vector<16xi32>
      %gather3A_37 = tpu.vector_load_idx %arg5[%add3A_17, %broadcast_in_dim3A_36] : memref<784x30xf32, #tpu.memory_space<vmem>>[vector<16xi32>, vector<16xi32>], vector<16xf32>,
      %broadcast_in_dim3A_38 = arith.constant 7 : i32
      %broadcast_in_dim3A_39 = vector.broadcast %broadcast_in_dim3A_38 : i32 to vector<16xi32>
      %gather3A_40 = tpu.vector_load_idx %arg5[%add3A_17, %broadcast_in_dim3A_39] : memref<784x30xf32, #tpu.memory_space<vmem>>[vector<16xi32>, vector<16xi32>], vector<16xf32>,
      %broadcast_in_dim3A_41 = arith.constant 8 : i32
      %broadcast_in_dim3A_42 = vector.broadcast %broadcast_in_dim3A_41 : i32 to vector<16xi32>
      %gather3A_43 = tpu.vector_load_idx %arg5[%add3A_17, %broadcast_in_dim3A_42] : memref<784x30xf32, #tpu.memory_space<vmem>>[vector<16xi32>, vector<16xi32>], vector<16xf32>,
      %broadcast_in_dim3A_44 = arith.constant 9 : i32
      %broadcast_in_dim3A_45 = vector.broadcast %broadcast_in_dim3A_44 : i32 to vector<16xi32>
      %gather3A_46 = tpu.vector_load_idx %arg5[%add3A_17, %broadcast_in_dim3A_45] : memref<784x30xf32, #tpu.memory_space<vmem>>[vector<16xi32>, vector<16xi32>], vector<16xf32>,
      %broadcast_in_dim3A_47 = arith.constant 0 : i32
      %broadcast_in_dim3A_48 = vector.broadcast %broadcast_in_dim3A_47 : i32 to vector<16xi32>
      %gather3A_49 = tpu.vector_load_idx %arg6[%add3A_17, %broadcast_in_dim3A_48] : memref<784x30xf32, #tpu.memory_space<vmem>>[vector<16xi32>, vector<16xi32>], vector<16xf32>,
      %broadcast_in_dim3A_50 = arith.constant 1 : i32
      %broadcast_in_dim3A_51 = vector.broadcast %broadcast_in_dim3A_50 : i32 to vector<16xi32>
      %gather3A_52 = tpu.vector_load_idx %arg6[%add3A_17, %broadcast_in_dim3A_51] : memref<784x30xf32, #tpu.memory_space<vmem>>[vector<16xi32>, vector<16xi32>], vector<16xf32>,
      %broadcast_in_dim3A_53 = arith.constant 2 : i32
      %broadcast_in_dim3A_54 = vector.broadcast %broadcast_in_dim3A_53 : i32 to vector<16xi32>
      %gather3A_55 = tpu.vector_load_idx %arg6[%add3A_17, %broadcast_in_dim3A_54] : memref<784x30xf32, #tpu.memory_space<vmem>>[vector<16xi32>, vector<16xi32>], vector<16xf32>,
      %broadcast_in_dim3A_56 = arith.constant 3 : i32
      %broadcast_in_dim3A_57 = vector.broadcast %broadcast_in_dim3A_56 : i32 to vector<16xi32>
      %gather3A_58 = tpu.vector_load_idx %arg6[%add3A_17, %broadcast_in_dim3A_57] : memref<784x30xf32, #tpu.memory_space<vmem>>[vector<16xi32>, vector<16xi32>], vector<16xf32>,
      %broadcast_in_dim3A_59 = arith.constant 4 : i32
      %broadcast_in_dim3A_60 = vector.broadcast %broadcast_in_dim3A_59 : i32 to vector<16xi32>
      %gather3A_61 = tpu.vector_load_idx %arg6[%add3A_17, %broadcast_in_dim3A_60] : memref<784x30xf32, #tpu.memory_space<vmem>>[vector<16xi32>, vector<16xi32>], vector<16xf32>,
      %gt3A = arith.constant 0.000000e+00 : f32
      %gt3A_62 = vector.broadcast %gt3A : f32 to vector<16xf32>
      %gt3A_63 = arith.cmpf ogt, %gather3A_61, %gt3A_62 : vector<16xf32>
      %mul3A_64 = arith.constant 0.142857149 : f32
      %mul3A_65 = vector.broadcast %mul3A_64 : f32 to vector<16xf32>
      %mul3A_66 = arith.mulf %gather3A_49, %mul3A_65 : vector<16xf32>
      %mul3A_67 = arith.constant 0.142857149 : f32
      %mul3A_68 = vector.broadcast %mul3A_67 : f32 to vector<16xf32>
      %mul3A_69 = arith.mulf %gather3A_52, %mul3A_68 : vector<16xf32>
      %mul3A_70 = arith.constant 5.000000e-01 : f32
      %mul3A_71 = vector.broadcast %mul3A_70 : f32 to vector<16xf32>
      %mul3A_72 = arith.mulf %gather3A_55, %mul3A_71 : vector<16xf32>
      %mul3A_73 = arith.constant 5.000000e-01 : f32
      %mul3A_74 = vector.broadcast %mul3A_73 : f32 to vector<16xf32>
      %mul3A_75 = arith.mulf %gather3A_58, %mul3A_74 : vector<16xf32>
      %sub3A = arith.subf %mul3A_66, %mul3A_72 : vector<16xf32>
      %sub3A_76 = arith.subf %mul3A_69, %mul3A_75 : vector<16xf32>
      %add3A_77 = arith.addf %mul3A_66, %mul3A_72 : vector<16xf32>
      %add3A_78 = arith.addf %mul3A_69, %mul3A_75 : vector<16xf32>
      %sub3A_79 = arith.subf %add3A_77, %sub3A : vector<16xf32>
      %sub3A_80 = arith.subf %add3A_78, %sub3A_76 : vector<16xf32>
      %mul3A_81 = arith.mulf %sub3A_79, %sub3A_80 : vector<16xf32>
      %mul3A_82 = arith.constant 0.142857149 : f32
      %mul3A_83 = vector.broadcast %mul3A_82 : f32 to vector<16xf32>
      %mul3A_84 = arith.mulf %gather3A, %mul3A_83 : vector<16xf32>
      %mul3A_85 = arith.constant 0.142857149 : f32
      %mul3A_86 = vector.broadcast %mul3A_85 : f32 to vector<16xf32>
      %mul3A_87 = arith.mulf %gather3A_22, %mul3A_86 : vector<16xf32>
      %mul3A_88 = arith.constant 5.000000e-01 : f32
      %mul3A_89 = vector.broadcast %mul3A_88 : f32 to vector<16xf32>
      %mul3A_90 = arith.mulf %gather3A_25, %mul3A_89 : vector<16xf32>
      %mul3A_91 = arith.constant 5.000000e-01 : f32
      %mul3A_92 = vector.broadcast %mul3A_91 : f32 to vector<16xf32>
      %mul3A_93 = arith.mulf %gather3A_28, %mul3A_92 : vector<16xf32>
      %sub3A_94 = arith.subf %mul3A_84, %mul3A_90 : vector<16xf32>
      %sub3A_95 = arith.subf %mul3A_87, %mul3A_93 : vector<16xf32>
      %add3A_96 = arith.addf %mul3A_84, %mul3A_90 : vector<16xf32>
      %add3A_97 = arith.addf %mul3A_87, %mul3A_93 : vector<16xf32>
      %max3A = arith.maximumf %sub3A_94, %sub3A : vector<16xf32>
      %max3A_98 = arith.maximumf %sub3A_95, %sub3A_76 : vector<16xf32>
      %min3A = arith.minimumf %add3A_96, %add3A_77 : vector<16xf32>
      %min3A_99 = arith.minimumf %add3A_97, %add3A_78 : vector<16xf32>
      %sub3A_100 = arith.subf %min3A, %max3A : vector<16xf32>
      %max3A_101 = arith.constant 0.000000e+00 : f32
      %max3A_102 = vector.broadcast %max3A_101 : f32 to vector<16xf32>
      %max3A_103 = arith.maximumf %sub3A_100, %max3A_102 : vector<16xf32>
      %sub3A_104 = arith.subf %min3A_99, %max3A_98 : vector<16xf32>
      %max3A_105 = arith.constant 0.000000e+00 : f32
      %max3A_106 = vector.broadcast %max3A_105 : f32 to vector<16xf32>
      %max3A_107 = arith.maximumf %sub3A_104, %max3A_106 : vector<16xf32>
      %mul3A_108 = arith.mulf %max3A_103, %max3A_107 : vector<16xf32>
      %sub3A_109 = arith.subf %add3A_96, %sub3A_94 : vector<16xf32>
      %sub3A_110 = arith.subf %add3A_97, %sub3A_95 : vector<16xf32>
      %mul3A_111 = arith.mulf %sub3A_109, %sub3A_110 : vector<16xf32>
      %add3A_112 = arith.addf %mul3A_111, %mul3A_81 : vector<16xf32>
      %sub3A_113 = arith.subf %add3A_112, %mul3A_108 : vector<16xf32>
      %div3A = arith.divf %mul3A_108, %sub3A_113 : vector<16xf32>
      %mul3A_114 = arith.constant 0.142857149 : f32
      %mul3A_115 = vector.broadcast %mul3A_114 : f32 to vector<16xf32>
      %mul3A_116 = arith.mulf %gather3A_34, %mul3A_115 : vector<16xf32>
      %mul3A_117 = arith.constant 0.142857149 : f32
      %mul3A_118 = vector.broadcast %mul3A_117 : f32 to vector<16xf32>
      %mul3A_119 = arith.mulf %gather3A_37, %mul3A_118 : vector<16xf32>
      %mul3A_120 = arith.constant 5.000000e-01 : f32
      %mul3A_121 = vector.broadcast %mul3A_120 : f32 to vector<16xf32>
      %mul3A_122 = arith.mulf %gather3A_40, %mul3A_121 : vector<16xf32>
      %mul3A_123 = arith.constant 5.000000e-01 : f32
      %mul3A_124 = vector.broadcast %mul3A_123 : f32 to vector<16xf32>
      %mul3A_125 = arith.mulf %gather3A_43, %mul3A_124 : vector<16xf32>
      %sub3A_126 = arith.subf %mul3A_116, %mul3A_122 : vector<16xf32>
      %sub3A_127 = arith.subf %mul3A_119, %mul3A_125 : vector<16xf32>
      %add3A_128 = arith.addf %mul3A_116, %mul3A_122 : vector<16xf32>
      %add3A_129 = arith.addf %mul3A_119, %mul3A_125 : vector<16xf32>
      %max3A_130 = arith.maximumf %sub3A_126, %sub3A : vector<16xf32>
      %max3A_131 = arith.maximumf %sub3A_127, %sub3A_76 : vector<16xf32>
      %min3A_132 = arith.minimumf %add3A_128, %add3A_77 : vector<16xf32>
      %min3A_133 = arith.minimumf %add3A_129, %add3A_78 : vector<16xf32>
      %sub3A_134 = arith.subf %min3A_132, %max3A_130 : vector<16xf32>
      %max3A_135 = arith.constant 0.000000e+00 : f32
      %max3A_136 = vector.broadcast %max3A_135 : f32 to vector<16xf32>
      %max3A_137 = arith.maximumf %sub3A_134, %max3A_136 : vector<16xf32>
      %sub3A_138 = arith.subf %min3A_133, %max3A_131 : vector<16xf32>
      %max3A_139 = arith.constant 0.000000e+00 : f32
      %max3A_140 = vector.broadcast %max3A_139 : f32 to vector<16xf32>
      %max3A_141 = arith.maximumf %sub3A_138, %max3A_140 : vector<16xf32>
      %mul3A_142 = arith.mulf %max3A_137, %max3A_141 : vector<16xf32>
      %sub3A_143 = arith.subf %add3A_128, %sub3A_126 : vector<16xf32>
      %sub3A_144 = arith.subf %add3A_129, %sub3A_127 : vector<16xf32>
      %mul3A_145 = arith.mulf %sub3A_143, %sub3A_144 : vector<16xf32>
      %add3A_146 = arith.addf %mul3A_145, %mul3A_81 : vector<16xf32>
      %sub3A_147 = arith.subf %add3A_146, %mul3A_142 : vector<16xf32>
      %div3A_148 = arith.divf %mul3A_142, %sub3A_147 : vector<16xf32>
      %max3A_149 = arith.maximumf %div3A, %div3A_148 : vector<16xf32>
      %eq3A = arith.cmpf oeq, %div3A, %max3A_149 : vector<16xf32>
      %jit3A = arith.constant 0xFF800000 : f32
      %broadcast_in_dim3A_150 = vector.broadcast %jit3A : f32 to vector<16xf32>
      %select_n3A = arith.select %eq3A, %gather3A_31, %broadcast_in_dim3A_150 : vector<16xi1>, vector<16xf32>
      %eq3A_151 = arith.cmpf oeq, %div3A_148, %max3A_149 : vector<16xf32>
      %jit3A_152 = arith.constant 0xFF800000 : f32
      %broadcast_in_dim3A_153 = vector.broadcast %jit3A_152 : f32 to vector<16xf32>
      %select_n3A_154 = arith.select %eq3A_151, %gather3A_46, %broadcast_in_dim3A_153 : vector<16xi1>, vector<16xf32>
      %gt3A_155 = arith.cmpf ogt, %select_n3A_154, %select_n3A : vector<16xf32>
      %select_n3A_156 = arith.select %gt3A_155, %gather3A_34, %gather3A : vector<16xi1>, vector<16xf32>
      %select_n3A_157 = arith.select %gt3A_155, %gather3A_37, %gather3A_22 : vector<16xi1>, vector<16xf32>
      %select_n3A_158 = arith.select %gt3A_155, %gather3A_40, %gather3A_25 : vector<16xi1>, vector<16xf32>
      %select_n3A_159 = arith.select %gt3A_155, %gather3A_43, %gather3A_28 : vector<16xi1>, vector<16xf32>
      %select_n3A_160 = arith.select %gt3A_155, %gather3A_46, %gather3A_31 : vector<16xi1>, vector<16xf32>
      %select_n3A_161 = arith.select %gt3A_155, %gather3A_31, %gather3A_46 : vector<16xi1>, vector<16xf32>
      %sub3A_162 = arith.subf %select_n3A_156, %gather3A_49 : vector<16xf32>
      %sub3A_163 = arith.subf %select_n3A_157, %gather3A_52 : vector<16xf32>
      %mul3A_164 = arith.mulf %sub3A_162, %sub3A_162 : vector<16xf32>
      %mul3A_165 = arith.mulf %sub3A_163, %sub3A_163 : vector<16xf32>
      %add3A_166 = arith.addf %mul3A_164, %mul3A_165 : vector<16xf32>
      %add3A_167 = arith.addf %select_n3A_158, %gather3A_55 : vector<16xf32>
      %mul3A_168 = arith.mulf %select_n3A_158, %gather3A_55 : vector<16xf32>
      %bitcast3A = vector.bitcast %mul3A_168 : vector<16xf32> to vector<16xi32>
      %shift_right_arithmetic3A = arith.constant 1 : i32
      %shift_right_arithmetic3A_169 = vector.broadcast %shift_right_arithmetic3A : i32 to vector<16xi32>
      %shift_right_arithmetic3A_170 = arith.shrsi %bitcast3A, %shift_right_arithmetic3A_169 : vector<16xi32>
      %add3A_171 = arith.constant 532487669 : i32
      %add3A_172 = vector.broadcast %add3A_171 : i32 to vector<16xi32>
      %add3A_173 = arith.addi %shift_right_arithmetic3A_170, %add3A_172 : vector<16xi32>
      %bitcast3A_174 = vector.bitcast %add3A_173 : vector<16xi32> to vector<16xf32>
      %div3A_175 = arith.divf %mul3A_168, %bitcast3A_174 : vector<16xf32>
      %add3A_176 = arith.addf %bitcast3A_174, %div3A_175 : vector<16xf32>
      %mul3A_177 = arith.constant 5.000000e-01 : f32
      %mul3A_178 = vector.broadcast %mul3A_177 : f32 to vector<16xf32>
      %mul3A_179 = arith.mulf %mul3A_178, %add3A_176 : vector<16xf32>
      %div3A_180 = arith.divf %mul3A_168, %mul3A_179 : vector<16xf32>
      %add3A_181 = arith.addf %mul3A_179, %div3A_180 : vector<16xf32>
      %mul3A_182 = arith.constant 5.000000e-01 : f32
      %mul3A_183 = vector.broadcast %mul3A_182 : f32 to vector<16xf32>
      %mul3A_184 = arith.mulf %mul3A_183, %add3A_181 : vector<16xf32>
      %div3A_185 = arith.divf %mul3A_168, %mul3A_184 : vector<16xf32>
      %add3A_186 = arith.addf %mul3A_184, %div3A_185 : vector<16xf32>
      %mul3A_187 = arith.constant 5.000000e-01 : f32
      %mul3A_188 = vector.broadcast %mul3A_187 : f32 to vector<16xf32>
      %mul3A_189 = arith.mulf %mul3A_188, %add3A_186 : vector<16xf32>
      %mul3A_190 = arith.constant 2.000000e+00 : f32
      %mul3A_191 = vector.broadcast %mul3A_190 : f32 to vector<16xf32>
      %mul3A_192 = arith.mulf %mul3A_191, %mul3A_189 : vector<16xf32>
      %sub3A_193 = arith.subf %add3A_167, %mul3A_192 : vector<16xf32>
      %add3A_194 = arith.addf %sub3A_193, %select_n3A_159 : vector<16xf32>
      %add3A_195 = arith.addf %add3A_194, %gather3A_58 : vector<16xf32>
      %mul3A_196 = arith.mulf %select_n3A_159, %gather3A_58 : vector<16xf32>
      %bitcast3A_197 = vector.bitcast %mul3A_196 : vector<16xf32> to vector<16xi32>
      %shift_right_arithmetic3A_198 = arith.constant 1 : i32
      %shift_right_arithmetic3A_199 = vector.broadcast %shift_right_arithmetic3A_198 : i32 to vector<16xi32>
      %shift_right_arithmetic3A_200 = arith.shrsi %bitcast3A_197, %shift_right_arithmetic3A_199 : vector<16xi32>
      %add3A_201 = arith.constant 532487669 : i32
      %add3A_202 = vector.broadcast %add3A_201 : i32 to vector<16xi32>
      %add3A_203 = arith.addi %shift_right_arithmetic3A_200, %add3A_202 : vector<16xi32>
      %bitcast3A_204 = vector.bitcast %add3A_203 : vector<16xi32> to vector<16xf32>
      %div3A_205 = arith.divf %mul3A_196, %bitcast3A_204 : vector<16xf32>
      %add3A_206 = arith.addf %bitcast3A_204, %div3A_205 : vector<16xf32>
      %mul3A_207 = arith.constant 5.000000e-01 : f32
      %mul3A_208 = vector.broadcast %mul3A_207 : f32 to vector<16xf32>
      %mul3A_209 = arith.mulf %mul3A_208, %add3A_206 : vector<16xf32>
      %div3A_210 = arith.divf %mul3A_196, %mul3A_209 : vector<16xf32>
      %add3A_211 = arith.addf %mul3A_209, %div3A_210 : vector<16xf32>
      %mul3A_212 = arith.constant 5.000000e-01 : f32
      %mul3A_213 = vector.broadcast %mul3A_212 : f32 to vector<16xf32>
      %mul3A_214 = arith.mulf %mul3A_213, %add3A_211 : vector<16xf32>
      %div3A_215 = arith.divf %mul3A_196, %mul3A_214 : vector<16xf32>
      %add3A_216 = arith.addf %mul3A_214, %div3A_215 : vector<16xf32>
      %mul3A_217 = arith.constant 5.000000e-01 : f32
      %mul3A_218 = vector.broadcast %mul3A_217 : f32 to vector<16xf32>
      %mul3A_219 = arith.mulf %mul3A_218, %add3A_216 : vector<16xf32>
      %mul3A_220 = arith.constant 2.000000e+00 : f32
      %mul3A_221 = vector.broadcast %mul3A_220 : f32 to vector<16xf32>
      %mul3A_222 = arith.mulf %mul3A_221, %mul3A_219 : vector<16xf32>
      %sub3A_223 = arith.subf %add3A_195, %mul3A_222 : vector<16xf32>
      %sub3A_224 = arith.subf %select_n3A_160, %max3A_149 : vector<16xf32>
      %mul3A_225 = arith.mulf %sub3A_224, %sub3A_224 : vector<16xf32>
      %mul3A_226 = arith.mulf %select_n3A_161, %select_n3A_161 : vector<16xf32>
      %broadcast_in_dim3A_227 = arith.constant 0.000000e+00 : f32
      %broadcast_in_dim3A_228 = vector.broadcast %broadcast_in_dim3A_227 : f32 to vector<16xf32>
      %broadcast_in_dim3A_229 = arith.constant 10 : i32
      %broadcast_in_dim3A_230 = vector.broadcast %broadcast_in_dim3A_229 : i32 to vector<16xi32>
      %gather3A_231 = tpu.vector_load_idx %arg5[%add3A_17, %broadcast_in_dim3A_230] : memref<784x30xf32, #tpu.memory_space<vmem>>[vector<16xi32>, vector<16xi32>], vector<16xf32>,
      %broadcast_in_dim3A_232 = arith.constant 10 : i32
      %broadcast_in_dim3A_233 = vector.broadcast %broadcast_in_dim3A_232 : i32 to vector<16xi32>
      %gather3A_234 = tpu.vector_load_idx %arg6[%add3A_17, %broadcast_in_dim3A_233] : memref<784x30xf32, #tpu.memory_space<vmem>>[vector<16xi32>, vector<16xi32>], vector<16xf32>,
      %sub3A_235 = arith.subf %gather3A_231, %gather3A_234 : vector<16xf32>
      %mul3A_236 = arith.mulf %sub3A_235, %sub3A_235 : vector<16xf32>
      %add3A_237 = arith.addf %broadcast_in_dim3A_228, %mul3A_236 : vector<16xf32>
      %broadcast_in_dim3A_238 = arith.constant 11 : i32
      %broadcast_in_dim3A_239 = vector.broadcast %broadcast_in_dim3A_238 : i32 to vector<16xi32>
      %gather3A_240 = tpu.vector_load_idx %arg5[%add3A_17, %broadcast_in_dim3A_239] : memref<784x30xf32, #tpu.memory_space<vmem>>[vector<16xi32>, vector<16xi32>], vector<16xf32>,
      %broadcast_in_dim3A_241 = arith.constant 11 : i32
      %broadcast_in_dim3A_242 = vector.broadcast %broadcast_in_dim3A_241 : i32 to vector<16xi32>
      %gather3A_243 = tpu.vector_load_idx %arg6[%add3A_17, %broadcast_in_dim3A_242] : memref<784x30xf32, #tpu.memory_space<vmem>>[vector<16xi32>, vector<16xi32>], vector<16xf32>,
      %sub3A_244 = arith.subf %gather3A_240, %gather3A_243 : vector<16xf32>
      %mul3A_245 = arith.mulf %sub3A_244, %sub3A_244 : vector<16xf32>
      %add3A_246 = arith.addf %add3A_237, %mul3A_245 : vector<16xf32>
      %broadcast_in_dim3A_247 = arith.constant 12 : i32
      %broadcast_in_dim3A_248 = vector.broadcast %broadcast_in_dim3A_247 : i32 to vector<16xi32>
      %gather3A_249 = tpu.vector_load_idx %arg5[%add3A_17, %broadcast_in_dim3A_248] : memref<784x30xf32, #tpu.memory_space<vmem>>[vector<16xi32>, vector<16xi32>], vector<16xf32>,
      %broadcast_in_dim3A_250 = arith.constant 12 : i32
      %broadcast_in_dim3A_251 = vector.broadcast %broadcast_in_dim3A_250 : i32 to vector<16xi32>
      %gather3A_252 = tpu.vector_load_idx %arg6[%add3A_17, %broadcast_in_dim3A_251] : memref<784x30xf32, #tpu.memory_space<vmem>>[vector<16xi32>, vector<16xi32>], vector<16xf32>,
      %sub3A_253 = arith.subf %gather3A_249, %gather3A_252 : vector<16xf32>
      %mul3A_254 = arith.mulf %sub3A_253, %sub3A_253 : vector<16xf32>
      %add3A_255 = arith.addf %add3A_246, %mul3A_254 : vector<16xf32>
      %broadcast_in_dim3A_256 = arith.constant 13 : i32
      %broadcast_in_dim3A_257 = vector.broadcast %broadcast_in_dim3A_256 : i32 to vector<16xi32>
      %gather3A_258 = tpu.vector_load_idx %arg5[%add3A_17, %broadcast_in_dim3A_257] : memref<784x30xf32, #tpu.memory_space<vmem>>[vector<16xi32>, vector<16xi32>], vector<16xf32>,
      %broadcast_in_dim3A_259 = arith.constant 13 : i32
      %broadcast_in_dim3A_260 = vector.broadcast %broadcast_in_dim3A_259 : i32 to vector<16xi32>
      %gather3A_261 = tpu.vector_load_idx %arg6[%add3A_17, %broadcast_in_dim3A_260] : memref<784x30xf32, #tpu.memory_space<vmem>>[vector<16xi32>, vector<16xi32>], vector<16xf32>,
      %sub3A_262 = arith.subf %gather3A_258, %gather3A_261 : vector<16xf32>
      %mul3A_263 = arith.mulf %sub3A_262, %sub3A_262 : vector<16xf32>
      %add3A_264 = arith.addf %add3A_255, %mul3A_263 : vector<16xf32>
      %broadcast_in_dim3A_265 = arith.constant 14 : i32
      %broadcast_in_dim3A_266 = vector.broadcast %broadcast_in_dim3A_265 : i32 to vector<16xi32>
      %gather3A_267 = tpu.vector_load_idx %arg5[%add3A_17, %broadcast_in_dim3A_266] : memref<784x30xf32, #tpu.memory_space<vmem>>[vector<16xi32>, vector<16xi32>], vector<16xf32>,
      %broadcast_in_dim3A_268 = arith.constant 14 : i32
      %broadcast_in_dim3A_269 = vector.broadcast %broadcast_in_dim3A_268 : i32 to vector<16xi32>
      %gather3A_270 = tpu.vector_load_idx %arg6[%add3A_17, %broadcast_in_dim3A_269] : memref<784x30xf32, #tpu.memory_space<vmem>>[vector<16xi32>, vector<16xi32>], vector<16xf32>,
      %sub3A_271 = arith.subf %gather3A_267, %gather3A_270 : vector<16xf32>
      %mul3A_272 = arith.mulf %sub3A_271, %sub3A_271 : vector<16xf32>
      %add3A_273 = arith.addf %add3A_264, %mul3A_272 : vector<16xf32>
      %broadcast_in_dim3A_274 = arith.constant 15 : i32
      %broadcast_in_dim3A_275 = vector.broadcast %broadcast_in_dim3A_274 : i32 to vector<16xi32>
      %gather3A_276 = tpu.vector_load_idx %arg5[%add3A_17, %broadcast_in_dim3A_275] : memref<784x30xf32, #tpu.memory_space<vmem>>[vector<16xi32>, vector<16xi32>], vector<16xf32>,
      %broadcast_in_dim3A_277 = arith.constant 15 : i32
      %broadcast_in_dim3A_278 = vector.broadcast %broadcast_in_dim3A_277 : i32 to vector<16xi32>
      %gather3A_279 = tpu.vector_load_idx %arg6[%add3A_17, %broadcast_in_dim3A_278] : memref<784x30xf32, #tpu.memory_space<vmem>>[vector<16xi32>, vector<16xi32>], vector<16xf32>,
      %sub3A_280 = arith.subf %gather3A_276, %gather3A_279 : vector<16xf32>
      %mul3A_281 = arith.mulf %sub3A_280, %sub3A_280 : vector<16xf32>
      %add3A_282 = arith.addf %add3A_273, %mul3A_281 : vector<16xf32>
      %broadcast_in_dim3A_283 = arith.constant 16 : i32
      %broadcast_in_dim3A_284 = vector.broadcast %broadcast_in_dim3A_283 : i32 to vector<16xi32>
      %gather3A_285 = tpu.vector_load_idx %arg5[%add3A_17, %broadcast_in_dim3A_284] : memref<784x30xf32, #tpu.memory_space<vmem>>[vector<16xi32>, vector<16xi32>], vector<16xf32>,
      %broadcast_in_dim3A_286 = arith.constant 16 : i32
      %broadcast_in_dim3A_287 = vector.broadcast %broadcast_in_dim3A_286 : i32 to vector<16xi32>
      %gather3A_288 = tpu.vector_load_idx %arg6[%add3A_17, %broadcast_in_dim3A_287] : memref<784x30xf32, #tpu.memory_space<vmem>>[vector<16xi32>, vector<16xi32>], vector<16xf32>,
      %sub3A_289 = arith.subf %gather3A_285, %gather3A_288 : vector<16xf32>
      %mul3A_290 = arith.mulf %sub3A_289, %sub3A_289 : vector<16xf32>
      %add3A_291 = arith.addf %add3A_282, %mul3A_290 : vector<16xf32>
      %broadcast_in_dim3A_292 = arith.constant 17 : i32
      %broadcast_in_dim3A_293 = vector.broadcast %broadcast_in_dim3A_292 : i32 to vector<16xi32>
      %gather3A_294 = tpu.vector_load_idx %arg5[%add3A_17, %broadcast_in_dim3A_293] : memref<784x30xf32, #tpu.memory_space<vmem>>[vector<16xi32>, vector<16xi32>], vector<16xf32>,
      %broadcast_in_dim3A_295 = arith.constant 17 : i32
      %broadcast_in_dim3A_296 = vector.broadcast %broadcast_in_dim3A_295 : i32 to vector<16xi32>
      %gather3A_297 = tpu.vector_load_idx %arg6[%add3A_17, %broadcast_in_dim3A_296] : memref<784x30xf32, #tpu.memory_space<vmem>>[vector<16xi32>, vector<16xi32>], vector<16xf32>,
      %sub3A_298 = arith.subf %gather3A_294, %gather3A_297 : vector<16xf32>
      %mul3A_299 = arith.mulf %sub3A_298, %sub3A_298 : vector<16xf32>
      %add3A_300 = arith.addf %add3A_291, %mul3A_299 : vector<16xf32>
      %broadcast_in_dim3A_301 = arith.constant 18 : i32
      %broadcast_in_dim3A_302 = vector.broadcast %broadcast_in_dim3A_301 : i32 to vector<16xi32>
      %gather3A_303 = tpu.vector_load_idx %arg5[%add3A_17, %broadcast_in_dim3A_302] : memref<784x30xf32, #tpu.memory_space<vmem>>[vector<16xi32>, vector<16xi32>], vector<16xf32>,
      %broadcast_in_dim3A_304 = arith.constant 18 : i32
      %broadcast_in_dim3A_305 = vector.broadcast %broadcast_in_dim3A_304 : i32 to vector<16xi32>
      %gather3A_306 = tpu.vector_load_idx %arg6[%add3A_17, %broadcast_in_dim3A_305] : memref<784x30xf32, #tpu.memory_space<vmem>>[vector<16xi32>, vector<16xi32>], vector<16xf32>,
      %sub3A_307 = arith.subf %gather3A_303, %gather3A_306 : vector<16xf32>
      %mul3A_308 = arith.mulf %sub3A_307, %sub3A_307 : vector<16xf32>
      %add3A_309 = arith.addf %add3A_300, %mul3A_308 : vector<16xf32>
      %broadcast_in_dim3A_310 = arith.constant 19 : i32
      %broadcast_in_dim3A_311 = vector.broadcast %broadcast_in_dim3A_310 : i32 to vector<16xi32>
      %gather3A_312 = tpu.vector_load_idx %arg5[%add3A_17, %broadcast_in_dim3A_311] : memref<784x30xf32, #tpu.memory_space<vmem>>[vector<16xi32>, vector<16xi32>], vector<16xf32>,
      %broadcast_in_dim3A_313 = arith.constant 19 : i32
      %broadcast_in_dim3A_314 = vector.broadcast %broadcast_in_dim3A_313 : i32 to vector<16xi32>
      %gather3A_315 = tpu.vector_load_idx %arg6[%add3A_17, %broadcast_in_dim3A_314] : memref<784x30xf32, #tpu.memory_space<vmem>>[vector<16xi32>, vector<16xi32>], vector<16xf32>,
      %sub3A_316 = arith.subf %gather3A_312, %gather3A_315 : vector<16xf32>
      %mul3A_317 = arith.mulf %sub3A_316, %sub3A_316 : vector<16xf32>
      %add3A_318 = arith.addf %add3A_309, %mul3A_317 : vector<16xf32>
      %broadcast_in_dim3A_319 = arith.constant 20 : i32
      %broadcast_in_dim3A_320 = vector.broadcast %broadcast_in_dim3A_319 : i32 to vector<16xi32>
      %gather3A_321 = tpu.vector_load_idx %arg5[%add3A_17, %broadcast_in_dim3A_320] : memref<784x30xf32, #tpu.memory_space<vmem>>[vector<16xi32>, vector<16xi32>], vector<16xf32>,
      %broadcast_in_dim3A_322 = arith.constant 20 : i32
      %broadcast_in_dim3A_323 = vector.broadcast %broadcast_in_dim3A_322 : i32 to vector<16xi32>
      %gather3A_324 = tpu.vector_load_idx %arg6[%add3A_17, %broadcast_in_dim3A_323] : memref<784x30xf32, #tpu.memory_space<vmem>>[vector<16xi32>, vector<16xi32>], vector<16xf32>,
      %sub3A_325 = arith.subf %gather3A_321, %gather3A_324 : vector<16xf32>
      %mul3A_326 = arith.mulf %sub3A_325, %sub3A_325 : vector<16xf32>
      %add3A_327 = arith.addf %add3A_318, %mul3A_326 : vector<16xf32>
      %broadcast_in_dim3A_328 = arith.constant 21 : i32
      %broadcast_in_dim3A_329 = vector.broadcast %broadcast_in_dim3A_328 : i32 to vector<16xi32>
      %gather3A_330 = tpu.vector_load_idx %arg5[%add3A_17, %broadcast_in_dim3A_329] : memref<784x30xf32, #tpu.memory_space<vmem>>[vector<16xi32>, vector<16xi32>], vector<16xf32>,
      %broadcast_in_dim3A_331 = arith.constant 21 : i32
      %broadcast_in_dim3A_332 = vector.broadcast %broadcast_in_dim3A_331 : i32 to vector<16xi32>
      %gather3A_333 = tpu.vector_load_idx %arg6[%add3A_17, %broadcast_in_dim3A_332] : memref<784x30xf32, #tpu.memory_space<vmem>>[vector<16xi32>, vector<16xi32>], vector<16xf32>,
      %sub3A_334 = arith.subf %gather3A_330, %gather3A_333 : vector<16xf32>
      %mul3A_335 = arith.mulf %sub3A_334, %sub3A_334 : vector<16xf32>
      %add3A_336 = arith.addf %add3A_327, %mul3A_335 : vector<16xf32>
      %broadcast_in_dim3A_337 = arith.constant 22 : i32
      %broadcast_in_dim3A_338 = vector.broadcast %broadcast_in_dim3A_337 : i32 to vector<16xi32>
      %gather3A_339 = tpu.vector_load_idx %arg5[%add3A_17, %broadcast_in_dim3A_338] : memref<784x30xf32, #tpu.memory_space<vmem>>[vector<16xi32>, vector<16xi32>], vector<16xf32>,
      %broadcast_in_dim3A_340 = arith.constant 22 : i32
      %broadcast_in_dim3A_341 = vector.broadcast %broadcast_in_dim3A_340 : i32 to vector<16xi32>
      %gather3A_342 = tpu.vector_load_idx %arg6[%add3A_17, %broadcast_in_dim3A_341] : memref<784x30xf32, #tpu.memory_space<vmem>>[vector<16xi32>, vector<16xi32>], vector<16xf32>,
      %sub3A_343 = arith.subf %gather3A_339, %gather3A_342 : vector<16xf32>
      %mul3A_344 = arith.mulf %sub3A_343, %sub3A_343 : vector<16xf32>
      %add3A_345 = arith.addf %add3A_336, %mul3A_344 : vector<16xf32>
      %broadcast_in_dim3A_346 = arith.constant 23 : i32
      %broadcast_in_dim3A_347 = vector.broadcast %broadcast_in_dim3A_346 : i32 to vector<16xi32>
      %gather3A_348 = tpu.vector_load_idx %arg5[%add3A_17, %broadcast_in_dim3A_347] : memref<784x30xf32, #tpu.memory_space<vmem>>[vector<16xi32>, vector<16xi32>], vector<16xf32>,
      %broadcast_in_dim3A_349 = arith.constant 23 : i32
      %broadcast_in_dim3A_350 = vector.broadcast %broadcast_in_dim3A_349 : i32 to vector<16xi32>
      %gather3A_351 = tpu.vector_load_idx %arg6[%add3A_17, %broadcast_in_dim3A_350] : memref<784x30xf32, #tpu.memory_space<vmem>>[vector<16xi32>, vector<16xi32>], vector<16xf32>,
      %sub3A_352 = arith.subf %gather3A_348, %gather3A_351 : vector<16xf32>
      %mul3A_353 = arith.mulf %sub3A_352, %sub3A_352 : vector<16xf32>
      %add3A_354 = arith.addf %add3A_345, %mul3A_353 : vector<16xf32>
      %broadcast_in_dim3A_355 = arith.constant 24 : i32
      %broadcast_in_dim3A_356 = vector.broadcast %broadcast_in_dim3A_355 : i32 to vector<16xi32>
      %gather3A_357 = tpu.vector_load_idx %arg5[%add3A_17, %broadcast_in_dim3A_356] : memref<784x30xf32, #tpu.memory_space<vmem>>[vector<16xi32>, vector<16xi32>], vector<16xf32>,
      %broadcast_in_dim3A_358 = arith.constant 24 : i32
      %broadcast_in_dim3A_359 = vector.broadcast %broadcast_in_dim3A_358 : i32 to vector<16xi32>
      %gather3A_360 = tpu.vector_load_idx %arg6[%add3A_17, %broadcast_in_dim3A_359] : memref<784x30xf32, #tpu.memory_space<vmem>>[vector<16xi32>, vector<16xi32>], vector<16xf32>,
      %sub3A_361 = arith.subf %gather3A_357, %gather3A_360 : vector<16xf32>
      %mul3A_362 = arith.mulf %sub3A_361, %sub3A_361 : vector<16xf32>
      %add3A_363 = arith.addf %add3A_354, %mul3A_362 : vector<16xf32>
      %broadcast_in_dim3A_364 = arith.constant 25 : i32
      %broadcast_in_dim3A_365 = vector.broadcast %broadcast_in_dim3A_364 : i32 to vector<16xi32>
      %gather3A_366 = tpu.vector_load_idx %arg5[%add3A_17, %broadcast_in_dim3A_365] : memref<784x30xf32, #tpu.memory_space<vmem>>[vector<16xi32>, vector<16xi32>], vector<16xf32>,
      %broadcast_in_dim3A_367 = arith.constant 25 : i32
      %broadcast_in_dim3A_368 = vector.broadcast %broadcast_in_dim3A_367 : i32 to vector<16xi32>
      %gather3A_369 = tpu.vector_load_idx %arg6[%add3A_17, %broadcast_in_dim3A_368] : memref<784x30xf32, #tpu.memory_space<vmem>>[vector<16xi32>, vector<16xi32>], vector<16xf32>,
      %sub3A_370 = arith.subf %gather3A_366, %gather3A_369 : vector<16xf32>
      %mul3A_371 = arith.mulf %sub3A_370, %sub3A_370 : vector<16xf32>
      %add3A_372 = arith.addf %add3A_363, %mul3A_371 : vector<16xf32>
      %broadcast_in_dim3A_373 = arith.constant 26 : i32
      %broadcast_in_dim3A_374 = vector.broadcast %broadcast_in_dim3A_373 : i32 to vector<16xi32>
      %gather3A_375 = tpu.vector_load_idx %arg5[%add3A_17, %broadcast_in_dim3A_374] : memref<784x30xf32, #tpu.memory_space<vmem>>[vector<16xi32>, vector<16xi32>], vector<16xf32>,
      %broadcast_in_dim3A_376 = arith.constant 26 : i32
      %broadcast_in_dim3A_377 = vector.broadcast %broadcast_in_dim3A_376 : i32 to vector<16xi32>
      %gather3A_378 = tpu.vector_load_idx %arg6[%add3A_17, %broadcast_in_dim3A_377] : memref<784x30xf32, #tpu.memory_space<vmem>>[vector<16xi32>, vector<16xi32>], vector<16xf32>,
      %sub3A_379 = arith.subf %gather3A_375, %gather3A_378 : vector<16xf32>
      %mul3A_380 = arith.mulf %sub3A_379, %sub3A_379 : vector<16xf32>
      %add3A_381 = arith.addf %add3A_372, %mul3A_380 : vector<16xf32>
      %broadcast_in_dim3A_382 = arith.constant 27 : i32
      %broadcast_in_dim3A_383 = vector.broadcast %broadcast_in_dim3A_382 : i32 to vector<16xi32>
      %gather3A_384 = tpu.vector_load_idx %arg5[%add3A_17, %broadcast_in_dim3A_383] : memref<784x30xf32, #tpu.memory_space<vmem>>[vector<16xi32>, vector<16xi32>], vector<16xf32>,
      %broadcast_in_dim3A_385 = arith.constant 27 : i32
      %broadcast_in_dim3A_386 = vector.broadcast %broadcast_in_dim3A_385 : i32 to vector<16xi32>
      %gather3A_387 = tpu.vector_load_idx %arg6[%add3A_17, %broadcast_in_dim3A_386] : memref<784x30xf32, #tpu.memory_space<vmem>>[vector<16xi32>, vector<16xi32>], vector<16xf32>,
      %sub3A_388 = arith.subf %gather3A_384, %gather3A_387 : vector<16xf32>
      %mul3A_389 = arith.mulf %sub3A_388, %sub3A_388 : vector<16xf32>
      %add3A_390 = arith.addf %add3A_381, %mul3A_389 : vector<16xf32>
      %broadcast_in_dim3A_391 = arith.constant 28 : i32
      %broadcast_in_dim3A_392 = vector.broadcast %broadcast_in_dim3A_391 : i32 to vector<16xi32>
      %gather3A_393 = tpu.vector_load_idx %arg5[%add3A_17, %broadcast_in_dim3A_392] : memref<784x30xf32, #tpu.memory_space<vmem>>[vector<16xi32>, vector<16xi32>], vector<16xf32>,
      %broadcast_in_dim3A_394 = arith.constant 28 : i32
      %broadcast_in_dim3A_395 = vector.broadcast %broadcast_in_dim3A_394 : i32 to vector<16xi32>
      %gather3A_396 = tpu.vector_load_idx %arg6[%add3A_17, %broadcast_in_dim3A_395] : memref<784x30xf32, #tpu.memory_space<vmem>>[vector<16xi32>, vector<16xi32>], vector<16xf32>,
      %sub3A_397 = arith.subf %gather3A_393, %gather3A_396 : vector<16xf32>
      %mul3A_398 = arith.mulf %sub3A_397, %sub3A_397 : vector<16xf32>
      %add3A_399 = arith.addf %add3A_390, %mul3A_398 : vector<16xf32>
      %broadcast_in_dim3A_400 = arith.constant 29 : i32
      %broadcast_in_dim3A_401 = vector.broadcast %broadcast_in_dim3A_400 : i32 to vector<16xi32>
      %gather3A_402 = tpu.vector_load_idx %arg5[%add3A_17, %broadcast_in_dim3A_401] : memref<784x30xf32, #tpu.memory_space<vmem>>[vector<16xi32>, vector<16xi32>], vector<16xf32>,
      %broadcast_in_dim3A_403 = arith.constant 29 : i32
      %broadcast_in_dim3A_404 = vector.broadcast %broadcast_in_dim3A_403 : i32 to vector<16xi32>
      %gather3A_405 = tpu.vector_load_idx %arg6[%add3A_17, %broadcast_in_dim3A_404] : memref<784x30xf32, #tpu.memory_space<vmem>>[vector<16xi32>, vector<16xi32>], vector<16xf32>,
      %sub3A_406 = arith.subf %gather3A_402, %gather3A_405 : vector<16xf32>
      %mul3A_407 = arith.mulf %sub3A_406, %sub3A_406 : vector<16xf32>
      %add3A_408 = arith.addf %add3A_399, %mul3A_407 : vector<16xf32>
      %add3A_409 = arith.addf %add3A_166, %sub3A_223 : vector<16xf32>
      %mul3A_410 = arith.constant 5.000000e+00 : f32
      %mul3A_411 = vector.broadcast %mul3A_410 : f32 to vector<16xf32>
      %mul3A_412 = arith.mulf %mul3A_411, %add3A_409 : vector<16xf32>
      %add3A_413 = arith.addf %mul3A_412, %mul3A_225 : vector<16xf32>
      %mul3A_414 = arith.constant 5.000000e-01 : f32
      %mul3A_415 = vector.broadcast %mul3A_414 : f32 to vector<16xf32>
      %mul3A_416 = arith.mulf %mul3A_415, %mul3A_226 : vector<16xf32>
      %add3A_417 = arith.addf %add3A_413, %mul3A_416 : vector<16xf32>
      %add3A_418 = arith.addf %add3A_417, %add3A_408 : vector<16xf32>
      %mul3A_419 = arith.mulf %gather3A_31, %gather3A_31 : vector<16xf32>
      %mul3A_420 = arith.mulf %gather3A_46, %gather3A_46 : vector<16xf32>
      %add3A_421 = arith.addf %mul3A_419, %mul3A_420 : vector<16xf32>
      %mul3A_422 = arith.constant 5.000000e-01 : f32
      %mul3A_423 = vector.broadcast %mul3A_422 : f32 to vector<16xf32>
      %mul3A_424 = arith.mulf %mul3A_423, %add3A_421 : vector<16xf32>
      %select_n3A_425 = arith.select %gt3A_63, %add3A_418, %mul3A_424 : vector<16xi1>, vector<16xf32>
      %add3A_426 = arith.addf %scan3A_13, %select_n3A_425 : vector<16xf32>
      scf.yield %add3A_426 : vector<16xf32>
    }
    %scan3A_8 = arith.constant 49 : i32
    %swap3A = arith.constant 0 : index
    %swap3A_9 = tpu.vector_load %arg7[%swap3A] {strides = array<i32>} : memref<16xf32, #tpu.memory_space<vmem>>, vector<16xf32>,
    tpu.vector_store %arg7[%swap3A], %scan3A_7 {strides = array<i32>} : memref<16xf32, #tpu.memory_space<vmem>>, vector<16xf32>,
    %mul3A_10 = arith.constant 16 : i32
    %mul3A_11 = arith.muli %add3A, %mul3A_10 : i32
    "tpu.region"() ({
      %run_scoped3A = tpu.sem_alloc : memref<!tpu.dma_semaphore, #tpu.memory_space<semaphore_mem>>
      %dma_start3A = tpu.memref_slice %arg4[%mul3A_11] : memref<512xf32, #tpu.memory_space<hbm>> -> memref<16xf32, #tpu.memory_space<hbm>>
      %dma_start3A_12 = tpu.memref_slice %arg4[%mul3A_11] : memref<512xf32, #tpu.memory_space<hbm>> -> memref<16xf32, #tpu.memory_space<hbm>>
      tpu.enqueue_dma source(%arg7 : memref<16xf32, #tpu.memory_space<vmem>>) target(%dma_start3A_12 : memref<16xf32, #tpu.memory_space<hbm>>) target_semaphore(%run_scoped3A : memref<!tpu.dma_semaphore, #tpu.memory_space<semaphore_mem>>)
      %dma_wait3A = tpu.memref_slice %arg4[%mul3A_11] : memref<512xf32, #tpu.memory_space<hbm>> -> memref<16xf32, #tpu.memory_space<hbm>>
      %dma_wait3A_13 = tpu.memref_slice %arg4[%mul3A_11] : memref<512xf32, #tpu.memory_space<hbm>> -> memref<16xf32, #tpu.memory_space<hbm>>
      tpu.wait_dma2 semaphore(%run_scoped3A : memref<!tpu.dma_semaphore, #tpu.memory_space<semaphore_mem>>) src(%arg7 : memref<16xf32, #tpu.memory_space<vmem>>) dst(%dma_wait3A_13 : memref<16xf32, #tpu.memory_space<hbm>>)
      tpu.yield
    }) : () -> ()
    return
  }
}

</mosaic_0001>

<sc_bundles>
// kernel: kernel.3.cloned.1.call-start
scs
__scs_entry_jumppad:
0x0: {  	(pc) =	sbr.rel $0x88, $3  }
0x1: {  	(tag) =	ssettag $0x0;
	lr =	simm.s32 $0x1  }
0x2: {  	[smem:$0x3F9F] =	sst lr;
	_ =	strace $0xD0000000  }
0x3: {  	_ = 	snop  }
0x4: {  	_ = 	snop  }
0x5: {  	_ = 	snop  }
0x6: {  	_ = 	snop  }
0x7: {  	_ = 	snop  }
__scs_overlays_trampoline_lowered:
0x8: {  	[smem:$0x3FAE] =	sst s0  }
0x9: {  	[smem:$0x3FAF] =	sst s1  }
0xa: {  	[smem:$0x3FB0] =	sst s2  }
0xb: {  	[smem:$0x3FB1] =	sst s3  }
0xc: {  	[smem:$0x3FB2] =	sst s4  }
0xd: {  	[smem:$0x3FB3] =	sst s5  }
0xe: {  	[smem:$0x3FB4] =	sst s6  }
0xf: {  	[smem:$0x3FB5] =	sst s7  }
0x10: {  	[smem:$0x3FB6] =	sst s8  }
0x11: {  	[smem:$0x3FB7] =	sst s9;
	s0 =	simm.s32 @!p0 $0x0  }
0x12: {  	s1 =	sld [smem:$0x3F9D];
	s0 =	simm.s32 @p0 $0x1  }
0x13: {  	[smem:$0x3FB8] =	sst s0;
	s0 =	simm.s32 @!p1 $0x0  }
0x14: {  	s2 =	sld [smem:$0x3F9C];
	s0 =	simm.s32 @p1 $0x1  }
0x15: {  	[smem:$0x3FB9] =	sst s0;
	s0 =	simm.s32 @!p2 $0x0  }
0x16: {  	s3 =	sld [smem:$0x3FDB];
	s0 =	simm.s32 @p2 $0x1  }
0x17: {  	s4 =	simm.s32 $0x1BF5;
	[smem:$0x3FBB] =	sst s0  }
0x18: {  	s0 =	sld [smem:$0x3F9E];
	_ =	swait.ge [sflag:s4], $0x0  }
0x19: {  	s7 =	sld [smem:$0x3F9F]  }
0x1a: {  	s8 =	sadd.s32 $0xFFFFE003, lr  }
0x1b: {  	s9 =	sadd.s32 $0xFFFFFEF7, lr;
	s5 =	simm.s32 $0xFFFFFFFF;
	p2 =	slt.u32 s8, $0xFFFFF086  }
0x1c: {  	p1 =	slt.u32 s9, $0xF7A;
	s5 =	simm.s32 @!p2 $0x0  }
0x1d: {  	s5 =	simm.s32 @p1 $0x1;
	p0 =	seq.s32 s7, s2  }
0x1e: {  	s7 =	smul.u32 @!p0 $0xF7A, s2;
	p2 =	seq.s32 @!p0 s5, $0x0  }
0x1f: {  	s9 =	smul.u32 $0xF7A, s1;
	s8 =	simm.s32 @!p0 $0x1BF5;
	p2 =	por !p2, p0  }
0x20: {  	[sflag:s8] =	ssyncset.s32 @!p0 $0xFFFFF086;
	s6 =	sadd.s32 @!p0 s3, s7;
	s7 =	simm.s32 @!p0 $0x108  }
0x21: {  	s3 =	sadd.s32 s3, s9;
	s6 =	sadd.s32 @!p0 $0x88, s6;
	s7 =	simm.s32 @p2 $0x1082  }
0x22: {  	[simem:s7], [sflag:s8] =	dma.local @!p0 [hbm:s6], $0xF7A  }
0x23: {  	s9 =	sor.u32 $0xD0000000, s2;
	s6 =	simm.s32 $0x108;
	_ =	swait.ge @!p0 [sflag:s8], $0x0  }
0x24: {  	s3 =	sadd.s32 $0x88, s3;
	s6 =	simm.s32 @!p1 $0x1082;
	[sflag:s4] =	ssyncset.s32 $0xFFFFF086  }
0x25: {  	[simem:s6], [sflag:s4] =	dma.local [hbm:s3], $0xF7A  }
0x26: {  	[smem:$0x3F9F] =	sst s1;
	(tag) =	ssettag s2;
	_ =	strace s9  }
0x27: {  	s1 =	sld [smem:$0x3FAF]  }
0x28: {  	s2 =	sld [smem:$0x3FB0]  }
0x29: {  	s4 =	sld [smem:$0x3FB2]  }
0x2a: {  	p0 =	seq.s32 s5, $0x0;
	s5 =	sld [smem:$0x3FB3]  }
0x2b: {  	s6 =	sld [smem:$0x3FB4]  }
0x2c: {  	s7 =	sld [smem:$0x3FB5]  }
0x2d: {  	s3 =	simm.s32 $0x108;
	s8 =	sld [smem:$0x3FB6]  }
0x2e: {  	s3 =	simm.s32 @!p0 $0x1082;
	s9 =	sld [smem:$0x3FB7]  }
0x2f: {  	lr =	sadd.s32 s0, s3;
	s0 =	sld [smem:$0x3FAE]  }
0x30: {  	s3 =	sld [smem:$0x3FB1]  }
0x31: {  	[smem:$0x3FBA] =	sst s10  }
0x32: {  	s10 =	sld [smem:$0x3FB8];
	_ =	sdelay $0x3  }
0x33: {  	p0 =	seq.s32 s10, $0x1;
	s10 =	sld [smem:$0x3FBA];
	_ =	sdelay $0x3  }
0x34: {  	[smem:$0x3FBA] =	sst s10  }
0x35: {  	s10 =	sld [smem:$0x3FB9];
	_ =	sdelay $0x3  }
0x36: {  	p1 =	seq.s32 s10, $0x1;
	s10 =	sld [smem:$0x3FBA];
	_ =	sdelay $0x3  }
0x37: {  	[smem:$0x3FBA] =	sst s10  }
0x38: {  	s10 =	sld [smem:$0x3FBB]  }
0x39: {  	_ = 	snop;
	(pc) =	sbr.ind lr, $3  }
0x3a: {  	_ = 	snop  }
0x3b: {  	_ = 	snop  }
0x3c: {  	p2 =	seq.s32 s10, $0x1;
	s10 =	sld [smem:$0x3FBA]  }
0x3d: {  	_ =	shalt  }
0x3e: {  	_ =	shalt  }
0x3f: {  	_ =	shalt  }
0x40: {  	_ =	shalt  }
0x41: {  	_ =	shalt  }
0x42: {  	_ =	shalt  }
0x43: {  	_ =	shalt  }
0x44: {  	_ =	shalt  }
0x45: {  	_ =	shalt  }
0x46: {  	_ =	shalt  }
0x47: {  	_ =	shalt  }
0x48: {  	_ =	shalt  }
0x49: {  	_ =	shalt  }
0x4a: {  	_ =	shalt  }
0x4b: {  	_ =	shalt  }
0x4c: {  	_ =	shalt  }
0x4d: {  	_ =	shalt  }
0x4e: {  	_ =	shalt  }
0x4f: {  	_ =	shalt  }
0x50: {  	_ =	shalt  }
0x51: {  	_ =	shalt  }
0x52: {  	_ =	shalt  }
0x53: {  	_ =	shalt  }
0x54: {  	_ =	shalt  }
0x55: {  	_ =	shalt  }
0x56: {  	_ =	shalt  }
0x57: {  	_ =	shalt  }
0x58: {  	_ =	shalt  }
0x59: {  	_ =	shalt  }
0x5a: {  	_ =	shalt  }
0x5b: {  	_ =	shalt  }
0x5c: {  	_ =	shalt  }
0x5d: {  	_ =	shalt  }
0x5e: {  	_ =	shalt  }
0x5f: {  	_ =	shalt  }
0x60: {  	_ =	shalt  }
0x61: {  	_ =	shalt  }
0x62: {  	_ =	shalt  }
0x63: {  	_ =	shalt  }
0x64: {  	_ =	shalt  }
0x65: {  	_ =	shalt  }
0x66: {  	_ =	shalt  }
0x67: {  	_ =	shalt  }
0x68: {  	_ =	shalt  }
0x69: {  	_ =	shalt  }
0x6a: {  	_ =	shalt  }
0x6b: {  	_ =	shalt  }
0x6c: {  	_ =	shalt  }
0x6d: {  	_ =	shalt  }
0x6e: {  	_ =	shalt  }
0x6f: {  	_ =	shalt  }
0x70: {  	_ =	shalt  }
0x71: {  	_ =	shalt  }
0x72: {  	_ =	shalt  }
0x73: {  	_ =	shalt  }
0x74: {  	_ =	shalt  }
0x75: {  	_ =	shalt  }
0x76: {  	_ =	shalt  }
0x77: {  	_ =	shalt  }
0x78: {  	_ =	shalt  }
0x79: {  	_ =	shalt  }
0x7a: {  	_ =	shalt  }
0x7b: {  	_ =	shalt  }
0x7c: {  	_ =	shalt  }
0x7d: {  	_ =	shalt  }
0x7e: {  	_ =	shalt  }
0x7f: {  	_ =	shalt  }
0x80: {  	_ =	shalt  }
0x81: {  	_ =	shalt  }
0x82: {  	_ =	shalt  }
0x83: {  	_ =	shalt  }
0x84: {  	_ =	shalt  }
0x85: {  	_ =	shalt  }
0x86: {  	_ =	shalt  }
0x87: {  	_ =	shalt  }
.Lfunc_end0:
.L_simem_size_0:
called_computation_lowered:
.L_overlay_start_0:
0x88: {  	s2 =	sld [smem:$0x3FD9]  }
0x89: {  	s3 =	sld [smem:$0x3FFE];
	_ =	sdelay $0x1  }
0x8a: {  	s1 =	srdreg.scid  }
0x8b: {  	s0 =	sand.u32 $0x1, s1  }
0x8c: {  	s16 =	sshll.u32 s0, $0xA;
	s2 =	sadd.s32 s3, s2  }
0x8d: {  	s2 =	sadd.s32 s2, s16  }
0x8e: {  	[smem:$0x3FC6] =	sst s2  }
0x8f: {  	_ = 	snop  }
0x90: {  	(tm) =	ssettm $0x1  }
0x91: {  	s17 =	sld [smem:$0x3FFB];
	_ =	sdelay $0x3  }
0x92: {  	_ =	strace s17  }
0x93: {  	s2 =	sld [smem:$0x3FFC];
	_ =	sdelay $0x3  }
0x94: {  	_ =	strace s2  }
0x95: {  	s2 =	sld [smem:$0x3FFD];
	_ =	sdelay $0x3  }
0x96: {  	_ =	strace s2  }
0x97: {  	_ =	strace $0x8FFFFFFF  }
0x98: {  	s18 =	sld [smem:$0x3FDB];
	_ =	sdelay $0x1  }
0x99: {  	s19 =	simm.s32 $_scs_section_size  }
0x9a: {  	s4 =	simm.s32 $_size__tile_overlayer_lowered;
	s5 =	simm.s32 $_tile_overlayer_lowered  }
0x9b: {  	s22 =	simm.s32 $0x1BFF;
	s21 =	sshll.u32 s5, $0x1;
	s2 =	sadd.s32 s19, s18  }
0x9c: {  	s6 =	simm.s32 $0x0;
	s20 =	sshll.u32 s4, $0x1;
	s4 =	sadd.s32 s21, s2  }
0x9d: {  	[timem:s6], [sflag:s22] =	dma.local [hbm:s4], s20  }
0x9e: {  	_ =	swait.ge [sflag:s22], s20  }
0x9f: {  	s3 =	ssub.s32 $0x0, s20;
	[sflag:s22] =	ssyncset.done $0x0  }
0xa0: {  	[sflag:s22] =	ssyncadd.s32 s3;
	_ =	sdelay $0x1  }
0xa1: {  	s23 =	simm.s32 $0x1B8B  }
0xa2: {  	_ =	swait.ge [sflag:s23], $0x1  }
0xa3: {  	[sflag:s23] =	ssyncset.done $0x0  }
0xa4: {  	s25 =	simm.s32 $0x1B8E;
	s24 =	sld [smem:$0x3FFE];
	[sflag:s23] =	ssyncadd.s32 $0xFFFFFFFF  }
0xa5: {  	s26 =	simm.s32 $execute0_lowered;
	[smem:$0x3FD2] =	sst s25  }
0xa6: {  	s4 =	sshll.u32 s26, $0x1;
	_ =	strace $0x80000046;
	[dreg:$0x1] =	wrdreg $0xFFFFFFFF  }
0xa7: {  	s28 =	simm.s32 $_size_execute0_lowered;
	s2 =	sadd.s32 s2, s4;
	[dreg:$0x0] =	wrdreg $0x0  }
0xa8: {  	s4 =	sshll.u32 s28, $0x1;
	[dreg:$0x2] =	wrdreg s2  }
0xa9: {  	[dreg:$0x3] =	wrdreg s4  }
0xaa: {  	[dreg:$0x4] =	wrdreg $0xC0  }
0xab: {  	_ =	task [dreg:s6], $0x5FFFF  }
0xac: {  	[dreg:$0x1] =	wrdreg $0xFFFFFFFF  }
0xad: {  	[dreg:$0x0] =	wrdreg $0x60  }
0xae: {  	[dreg:$0x2] =	wrdreg s24  }
0xaf: {  	[dreg:$0x3] =	wrdreg $0x9  }
0xb0: {  	_ =	task.clear_ibuf [dreg:s6], $0x4FFFF;
	_ =	strace $0x90000046  }
0xb1: {  	s29 =	simm.s32 $0x9;
	_ =	strace $0x80000048  }
0xb2: {  	_ =	swait.ge [sflag:s29], $0x1  }
0xb3: {  	[sflag:s29] =	ssyncadd.s32 $0xFFFFFFFF  }
0xb4: {  	_ =	strace $0x90000048  }
0xb5: {  	_ =	sfence  }
0xb6: {  	s30 =	sld [smem:$0x0];
	_ =	sdelay $0x2  }
0xb7: {  	s31 =	sshll.u32 s1, $0xD;
	s1 =	sshrl.u32 s1, $0x2  }
0xb8: {  	s3 =	sand.u32 $0x4000, s31;
	s1 =	sadd.s32 s1, s30  }
0xb9: {  	s0 =	sor.u32 s3, s0;
	s1 =	sshll.u32 s1, $0x11  }
0xba: {  	s0 =	sor.u32 s1, s0  }
0xbb: {  	s0 =	sadd.s32 $0x8F2B, s0  }
0xbc: {  	[sflag:s0] =	ssyncadd.remote.s32 $0x1  }
0xbd: {  	_ =	sfence.sel $0xFFFF  }
0xbe: {  	[dreg:$0x0] =	wrdreg $0xFFFFFFFF;
	(pc) =	sbr.abs _section_cstart, $3  }
0xbf: {  	[dreg:$0x1] =	wrdreg $0xFFFFFFFF  }
0xc0: {  	_ =	task.clear_ibuf [dreg:s6], $0x2FFFF;
	_ =	strace $0x9FFFFFFF  }
0xc1: {  	(tm) =	ssettm $0x7FFFFFFF  }
tec
execute0_lowered:
.L_overlay_start_1:
0x0: {  	(tag) =	ssettag $0x1  }
0x1: {  	s1 =	srdreg.scid  }
0x2: {  	s0 =	stileid.u32;
	s3 =	rddreg [dreg:$0x0];
	s2 =	simm.s32 $0x0  }
0x3: {  	s8 =	simm.s32 $0x6200;
	s4 =	sand.u32 $0x1, s1;
	s5 =	sshll.u32 s0, $0x1  }
0x4: {  	s9 =	simm.s32 $0xC400;
	s1 =	rddreg [dreg:$0x1];
	s5 =	sor.u32 s4, s5  }
0x5: {  	s10 =	simm.s32 $0x0;
	[smem:$0x7FF] =	sst s2;
	s6 =	smul.u32 $0xC40, s5  }
0x6: {  	v0 =	vlaneseq.u32;
	_ =	strace $0x80000047;
	s4 =	ssub.s32 $0x2, s4;
	s5 =	sshll.u32 s5, $0x1  }
0x7: {  	v52 =	vmul.u32 $0x20, v0;
	s31 =	sshrl.u32 s4, $0x1;
	s5 =	sadd.s32 s5, s3;
	s6 =	sadd.s32 s6, s3  }
0x8: {  	s7 =	ssub.s32 s4, s31;
	s5 =	sadd.s32 $0x31200, s5;
	s3 =	sadd.s32 $0x200, s6  }
0x9: {  	[tilespmem:$0x1FFF0] =	vst v52;
	s4 =	sadd.s32 $0x18A00, s6;
	s6 =	smax.u32 s7, $0x1;
	s7 =	simm.s32 $0x1  }
.LBB2_1:
0xa: {  	[tilespmem:s2], [sflag:$0x1] =	stream.linear.gather [hbm4b:s3+s2], $0x6200, $0x38;
	[tilespmem:$0xC410] =	vst v63  }
0xb: {  	v0 =	vmov s2;
	_ =	swait.ge [sflag:s7], $0x6200  }
0xc: {  	v0 =	vshll.u32 v0, $0x5;
	[sflag:s7] =	ssyncset.done $0x0  }
0xd: {  	v1 =	vor.u32 v52, v0;
	[sflag:s7] =	ssyncadd.s32 $0xFFFF9E00  }
0xe: {  	v0 =	vor.u32 $0x8, v1;
	[tilespmem:s8], [sflag:$0x1] =	stream.linear.gather [hbm4b:s4+s2], $0x6200, $0x38;
	[tilespmem:$0xC410] =	vst v63  }
0xf: {  	v6 =	vor.u32 $0x7, v1;
	_ =	swait.ge [sflag:s7], $0x6200  }
0x10: {  	v8 =	vor.u32 $0x2, v1;
	[sflag:s7] =	ssyncset.done $0x0  }
0x11: {  	v7 =	vor.u32 $0x5, v1;
	[sflag:s7] =	ssyncadd.s32 $0xFFFF9E00  }
0x12: {  	v2 =	vor.u32 $0x6, v1;
	v4 =	vld.idx.msk [tilespmem:v1+s2+$0x0], $0xffff  }
0x13: {  	v0 =	vld.idx.msk [tilespmem:v0+s2+$0x0], $0xffff  }
0x14: {  	v11 =	vld.idx.msk [tilespmem:v6+s2+$0x0], $0xffff  }
0x15: {  	v10 =	vor.u32 $0x3, v1;
	v13 =	vld.idx.msk [tilespmem:v8+s2+$0x0], $0xffff  }
0x16: {  	v7 =	vld.idx.msk [tilespmem:v7+s2+$0x0], $0xffff  }
0x17: {  	v5 =	vld.idx.msk [tilespmem:v2+s2+$0x0], $0xffff;
	v2 =	vor.u32 $0x1, v1  }
0x18: {  	v3 =	vld.idx.msk [tilespmem:v1+s8+$0x0], $0xffff  }
0x19: {  	v6 =	vld.idx.msk [tilespmem:v8+s8+$0x0], $0xffff  }
0x1a: {  	v46 =	vld.idx.msk [tilespmem:v10+s8+$0x0], $0xffff;
	v14 =	vmul.f32 $1.428571490e-01, v4;
	v17 =	vmul.f32 $5.000000000e-01, v13  }
0x1b: {  	v12 =	vor.u32 $0xA, v1;
	v10 =	vld.idx.msk [tilespmem:v10+s2+$0x0], $0xffff;
	v19 =	vmul.f32 $5.000000000e-01, v11;
	v20 =	vmul.f32 $1.428571490e-01, v7  }
0x1c: {  	v50 =	vor.u32 $0x13, v1;
	v8 =	vld.idx.msk [tilespmem:v2+s8+$0x0], $0xffff;
	v21 =	vmul.f32 $1.428571490e-01, v5;
	v22 =	vmul.f32 $5.000000000e-01, v0  }
0x1d: {  	v16 =	vmul.f32 $1.428571490e-01, v3;
	v9 =	vld.idx.msk [tilespmem:v2+s2+$0x0], $0xffff;
	v2 =	vsub.f32 v14, v17;
	v14 =	vadd.f32 v17, v14  }
0x1e: {  	v17 =	vmul.f32 $5.000000000e-01, v6;
	v24 =	vsub.f32 v20, v19;
	v25 =	vsub.f32 v21, v22  }
0x1f: {  	v23 =	vmul.f32 $5.000000000e-01, v46;
	v19 =	vadd.f32 v19, v20;
	v20 =	vadd.f32 v22, v21  }
0x20: {  	v34 =	vmul.f32 $5.000000000e-01, v10;
	v22 =	vsub.f32 v16, v17;
	v16 =	vadd.f32 v17, v16  }
0x21: {  	v30 =	vsub.f32 v19, v24;
	v31 =	vsub.f32 v20, v25;
	v26 =	vmul.f32 $1.428571490e-01, v8  }
0x22: {  	v29 =	vmul.f32 $1.428571490e-01, v9;
	v17 =	vmax.f32 v2, v22;
	v32 =	vsub.f32 v16, v22  }
0x23: {  	v33 =	vmin.f32 v14, v16;
	v2 =	vsub.f32 v14, v2;
	v28 =	vsub.f32 v26, v23  }
0x24: {  	v16 =	vmin.f32 v19, v16;
	v17 =	vsub.f32 v33, v17;
	v19 =	vadd.f32 v23, v26  }
0x25: {  	v22 =	vmax.f32 v24, v22;
	v23 =	vadd.f32 v34, v29;
	v24 =	vsub.f32 v29, v34  }
0x26: {  	v14 =	vsub.f32 v16, v22;
	v16 =	vmul.f32 v31, v30;
	v25 =	vmax.f32 v25, v28  }
0x27: {  	v22 =	vld.idx.msk [tilespmem:v12+s2+$0x0], $0xffff;
	v26 =	vsub.f32 v19, v28;
	v29 =	vsub.f32 v23, v24;
	v20 =	vmin.f32 v20, v19  }
0x28: {  	v30 =	vld.idx.msk [tilespmem:v12+s8+$0x0], $0xffff;
	v12 =	vmin.f32 v23, v19;
	v19 =	vmax.f32 v24, v28;
	v20 =	vsub.f32 v20, v25  }
0x29: {  	v17 =	vmax.f32 v17, $0.0e+00;
	v12 =	vsub.f32 v12, v19;
	v19 =	vmul.f32 v26, v32  }
0x2a: {  	v14 =	vmax.f32 v14, $0.0e+00;
	v2 =	vmul.f32 v29, v2;
	v20 =	vmax.f32 v20, $0.0e+00  }
0x2b: {  	v12 =	vmax.f32 v12, $0.0e+00;
	v16 =	vadd.f32 v19, v16;
	v14 =	vmul.f32 v20, v14  }
0x2c: {  	v51 =	vor.u32 $0x14, v1;
	v17 =	vmul.f32 v12, v17;
	v2 =	vadd.f32 v19, v2  }
0x2d: {  	v12 =	vsub.f32 v16, v14  }
0x2e: {  	v53 =	vor.u32 $0x16, v1;
	v2 =	vsub.f32 v2, v17  }
0x2f: {  	(erf) = vrcp.f32 v12  }
0x30: {  	v40 =	vld.idx.msk [tilespmem:v50+s2+$0x0], $0xffff;
	(erf) = vrcp.f32 v2  }
0x31: {  	v15 =	vor.u32 $0xB, v1;
	v54 =	vld.idx.msk [tilespmem:v51+s2+$0x0], $0xffff  }
0x32: {  	v18 =	vor.u32 $0xC, v1;
	v43 =	vld.idx.msk [tilespmem:v51+s8+$0x0], $0xffff  }
0x33: {  	v44 =	vld.idx.msk [tilespmem:v53+s2+$0x0], $0xffff;
	v29 =	vor.u32 $0x9, v1  }
0x34: {  	v45 =	vld.idx.msk [tilespmem:v53+s8+$0x0], $0xffff;
	v12 =	vor.u32 $0x4, v1  }
0x35: {  	v33 =	vld.idx.msk [tilespmem:v50+s8+$0x0], $0xffff  }
0x36: {  	v23 =	vld.idx.msk [tilespmem:v15+s2+$0x0], $0xffff  }
0x37: {  	v27 =	vor.u32 $0xD, v1;
	v24 =	vld.idx.msk [tilespmem:v18+s2+$0x0], $0xffff  }
0x38: {  	v29 =	vld.idx.msk [tilespmem:v29+s2+$0x0], $0xffff;
	v35 =	vpop (erf)  }
0x39: {  	v21 =	vor.u32 $0xE, v1;
	v38 =	vld.idx.msk [tilespmem:v12+s2+$0x0], $0xffff;
	v39 =	vpop (erf)  }
0x3a: {  	v18 =	vld.idx.msk [tilespmem:v18+s8+$0x0], $0xffff;
	v14 =	vmul.f32 v35, v14;
	v17 =	vmul.f32 v39, v17  }
0x3b: {  	v47 =	vor.u32 $0x1A, v1;
	v15 =	vld.idx.msk [tilespmem:v15+s8+$0x0], $0xffff  }
0x3c: {  	v25 =	vld.idx.msk [tilespmem:v27+s8+$0x0], $0xffff;
	v26 =	vor.u32 $0x11, v1;
	v41 =	vmax.f32 v17, v14  }
0x3d: {  	v19 =	vld.idx.msk [tilespmem:v27+s2+$0x0], $0xffff;
	vm0 =	veq.f32 v17, v41;
	vm1 =	veq.f32 v14, v41  }
0x3e: {  	v20 =	vor.u32 $0xF, v1;
	v27 =	vld.idx.msk [tilespmem:v21+s2+$0x0], $0xffff;
	v17 =	vnsel vm0, $0xFF800000, v38;
	v55 =	vnsel vm1, $0xFF800000, v29  }
0x3f: {  	v21 =	vld.idx.msk [tilespmem:v21+s8+$0x0], $0xffff;
	v18 =	vsub.f32 v24, v18;
	vm0 =	vgt.f32 v55, v17  }
0x40: {  	v24 =	vld.idx.msk [tilespmem:v47+s8+$0x0], $0xffff;
	v11 =	vsel vm0, v11, v13;
	v13 =	vsel vm0, v0, v10;
	v10 =	vor.u32 $0x19, v1  }
0x41: {  	v63 =	vld.idx.msk [tilespmem:v26+s2+$0x0], $0xffff  }
0x42: {  	v37 =	vor.u32 $0x15, v1;
	v42 =	vor.u32 $0x17, v1;
	v26 =	vld.idx.msk [tilespmem:v26+s8+$0x0], $0xffff  }
0x43: {  	v50 =	vor.u32 $0x1B, v1;
	v22 =	vsub.f32 v22, v30;
	v28 =	vld.idx.msk [tilespmem:v20+s2+$0x0], $0xffff;
	v35 =	vmul.f32 v11, v6  }
0x44: {  	v15 =	vsub.f32 v23, v15;
	v23 =	vor.u32 $0x1C, v1;
	v16 =	vor.u32 $0x10, v1;
	v20 =	vld.idx.msk [tilespmem:v20+s8+$0x0], $0xffff  }
0x45: {  	v2 =	vor.u32 $0x12, v1;
	v17 =	vor.u32 $0x18, v1;
	v56 =	vshra.s32 v35, $0x1;
	v30 =	vld.idx.msk [tilespmem:v10+s2+$0x0], $0xffff  }
0x46: {  	[tilespmem:$0x1FF00] =	vst v46;
	v1 =	vor.u32 $0x1D, v1;
	v34 =	vmul.f32 v13, v46;
	v46 =	vadd.s32 $0x1FBD1DF5, v56;
	v10 =	vld.idx.msk [tilespmem:v10+s8+$0x0], $0xffff  }
0x47: {  	v51 =	vsub.f32 v27, v21;
	v21 =	vld.idx.msk [tilespmem:v47+s2+$0x0], $0xffff;
	(erf) = vrcp.f32 v46  }
0x48: {  	v19 =	vsub.f32 v19, v25;
	v25 =	vld.idx.msk [tilespmem:v50+s2+$0x0], $0xffff;
	v48 =	vshra.s32 v34, $0x1  }
0x49: {  	v31 =	vld.idx.msk [tilespmem:v16+s2+$0x0], $0xffff;
	v48 =	vadd.s32 $0x1FBD1DF5, v48  }
0x4a: {  	v16 =	vld.idx.msk [tilespmem:v16+s8+$0x0], $0xffff;
	(erf) = vrcp.f32 v48  }
0x4b: {  	v10 =	vsub.f32 v30, v10;
	v30 =	vld.idx.msk [tilespmem:v1+s2+$0x0], $0xffff  }
0x4c: {  	v59 =	vmul.f32 v22, v22;
	v15 =	vmul.f32 v15, v15;
	v1 =	vld.idx.msk [tilespmem:v1+s8+$0x0], $0xffff  }
0x4d: {  	v27 =	vsub.f32 v54, v43;
	v58 =	vld.idx.msk [tilespmem:v23+s2+$0x0], $0xffff  }
0x4e: {  	v15 =	vadd.f32 v15, v59;
	v22 =	vld.idx.msk [tilespmem:v23+s8+$0x0], $0xffff;
	v57 =	vsub.f32 v63, v26  }
0x4f: {  	v18 =	vmul.f32 v18, v18;
	v26 =	vsub.f32 v40, v33;
	v36 =	vld.idx.msk [tilespmem:v2+s2+$0x0], $0xffff;
	v20 =	vsub.f32 v28, v20  }
0x50: {  	v62 =	vmul.f32 v29, v29;
	v28 =	vld.idx.msk [tilespmem:v50+s8+$0x0], $0xffff;
	v24 =	vsub.f32 v21, v24;
	v16 =	vsub.f32 v31, v16;
	v23 =	vpop (erf)  }
0x51: {  	v2 =	vld.idx.msk [tilespmem:v2+s8+$0x0], $0xffff;
	v31 =	vimm.f32 $0.0e+00;
	v23 =	vmul.f32 v23, v35;
	v1 =	vsub.f32 v30, v1  }
0x52: {  	[tilespmem:$0x1FF10] =	vst v31;
	v31 =	vsub.f32 v44, v45;
	v60 =	vmul.f32 v38, v38;
	v6 =	vadd.f32 v11, v6  }
0x53: {  	v14 =	vld.idx.msk [tilespmem:v37+s2+$0x0], $0xffff;
	v5 =	vsel vm0, v5, v9;
	v61 =	vpop (erf);
	v9 =	vadd.f32 v46, v23;
	v1 =	vmul.f32 v1, v1  }
0x54: {  	v5 =	vsub.f32 v5, v8;
	[tilespmem:$0x1FF20] =	vst v6;
	v6 =	vsel vm0, v29, v38;
	v21 =	vmul.f32 v61, v34  }
0x55: {  	v25 =	vsub.f32 v25, v28;
	v37 =	vld.idx.msk [tilespmem:v37+s8+$0x0], $0xffff;
	v8 =	vmul.f32 $5.000000000e-01, v9;
	[tilespmem:$0x1FF70] =	vst v1;
	v1 =	vsub.f32 v6, v41  }
0x56: {  	v0 =	vld.idx.msk [tilespmem:v42+s2+$0x0], $0xffff;
	v4 =	vsel vm0, v7, v4;
	v5 =	vmul.f32 v5, v5;
	v7 =	vadd.f32 v48, v21  }
0x57: {  	v2 =	vsub.f32 v36, v2;
	v42 =	vld.idx.msk [tilespmem:v42+s8+$0x0], $0xffff;
	(erf) = vrcp.f32 v8;
	[tilespmem:$0x1FF80] =	vst v1;
	v1 =	vmul.f32 v25, v25  }
0x58: {  	s11 =	simm.s32 $0x10;
	v31 =	vmul.f32 v31, v31;
	v49 =	vld.idx.msk [tilespmem:v17+s2+$0x0], $0xffff;
	[tilespmem:$0x1FF30] =	vst v5;
	v9 =	vsel vm0, v38, v29;
	v5 =	vmul.f32 $5.000000000e-01, v7  }
0x59: {  	v4 =	vsub.f32 v4, v3;
	v17 =	vld.idx.msk [tilespmem:v17+s8+$0x0], $0xffff;
	v3 =	vmul.f32 v9, v9;
	[tilespmem:$0x1FF90] =	vst v1;
	v1 =	vmov s11  }
0x5a: {  	v14 =	vsub.f32 v14, v37;
	(erf) = vrcp.f32 v5;
	v1 =	vshll.u32 v1, $0x5  }
0x5b: {  	v7 =	vsub.f32 v58, v22;
	[tilespmem:$0x1FF40] =	vst v3;
	v3 =	vadd.f32 v62, v60;
	v9 =	vor.u32 v52, v1  }
0x5c: {  	v12 =	vld.idx.msk [tilespmem:v12+s8+$0x0], $0xffff;
	v2 =	vmul.f32 v2, v2;
	v33 =	vmul.f32 v14, v14;
	v0 =	vsub.f32 v0, v42  }
0x5d: {  	[tilespmem:$0x1FF50] =	vst v3;
	v3 =	vmul.f32 v7, v7;
	v6 =	vor.u32 $0x8, v9;
	v7 =	vor.u32 $0x4, v9  }
0x5e: {  	v17 =	vsub.f32 v49, v17;
	v23 =	vmul.f32 v10, v10;
	v14 =	vor.u32 $0x7, v9  }
0x5f: {  	v46 =	vmul.f32 v26, v26;
	v22 =	vmul.f32 v24, v24;
	[tilespmem:$0x1FF60] =	vst v3;
	v10 =	vor.u32 $0x5, v9  }
0x60: {  	v25 =	vmul.f32 v0, v0;
	v3 =	vmul.f32 v17, v17;
	v37 =	vor.u32 $0x3, v9;
	[tilespmem:$0x1FFB0] =	vst v7;
	v7 =	vpop (erf);
	v21 =	vld.idx.msk [tilespmem:v9+s2+$0x0], $0xffff  }
0x61: {  	[tilespmem:$0x1FFC0] =	vst v12;
	v1 =	vmul.f32 v27, v27;
	v0 =	vor.u32 $0x1, v9;
	v12 =	vmul.f32 v7, v35;
	v7 =	vld.idx.msk [tilespmem:v9+s8+$0x0], $0xffff  }
0x62: {  	v11 =	vor.u32 $0x6, v9;
	v30 =	vor.u32 $0x9, v9;
	[tilespmem:$0x1FFA0] =	vst v3;
	v3 =	vor.u32 $0x2, v9;
	v24 =	vld.idx.msk [tilespmem:v6+s2+$0x0], $0xffff  }
0x63: {  	v63 =	vor.u32 $0xA, v9;
	v36 =	vor.u32 $0xB, v9;
	v41 =	vor.u32 $0xC, v9;
	v17 =	vpop (erf);
	v27 =	vld.idx.msk [tilespmem:v14+s2+$0x0], $0xffff  }
0x64: {  	v49 =	vor.u32 $0xD, v9;
	v6 =	vadd.f32 v18, v15;
	v15 =	vld.idx.msk [tilespmem:v10+s2+$0x0], $0xffff;
	v17 =	vmul.f32 v17, v34  }
0x65: {  	v52 =	vor.u32 $0xE, v9;
	v26 =	vld.idx.msk [tilespmem:v37+s8+$0x0], $0xffff;
	v8 =	vadd.f32 v12, v8;
	v12 =	vmul.f32 v19, v19  }
0x66: {  	v55 =	vor.u32 $0xF, v9;
	v32 =	vor.u32 $0x10, v9;
	v14 =	vld.idx.msk [tilespmem:v0+s2+$0x0], $0xffff;
	v5 =	vadd.f32 v17, v5  }
0x67: {  	v29 =	vld.idx.msk [tilespmem:v3+s2+$0x0], $0xffff;
	v42 =	vmul.f32 $5.000000000e-01, v8;
	v6 =	vadd.f32 v12, v6;
	v8 =	vmul.f32 v51, v51  }
0x68: {  	v38 =	vor.u32 $0x11, v9;
	v45 =	vor.u32 $0x12, v9;
	v18 =	vld.idx.msk [tilespmem:v3+s8+$0x0], $0xffff;
	v5 =	vmul.f32 $5.000000000e-01, v5  }
0x69: {  	v10 =	vmul.f32 v20, v20;
	v12 =	vld.idx.msk [tilespmem:v11+s2+$0x0], $0xffff;
	(erf) = vrcp.f32 v42;
	v6 =	vadd.f32 v8, v6  }
0x6a: {  	v39 =	vor.u32 $0x15, v9;
	v48 =	vld.idx.msk [tilespmem:v63+s2+$0x0], $0xffff;
	v19 =	vmul.f32 $1.428571490e-01, v7;
	(erf) = vrcp.f32 v5  }
0x6b: {  	v43 =	vld.idx.msk [tilespmem:v41+s2+$0x0], $0xffff;
	v20 =	vmul.f32 $1.428571490e-01, v15;
	v3 =	vadd.f32 v10, v6;
	v6 =	vmul.f32 v16, v16  }
0x6c: {  	v47 =	vld.idx.msk [tilespmem:v41+s8+$0x0], $0xffff;
	v41 =	vor.u32 $0x14, v9;
	v8 =	vmul.f32 $1.428571490e-01, v21;
	v11 =	vmul.f32 $5.000000000e-01, v29  }
0x6d: {  	v17 =	vld.idx.msk [tilespmem:v0+s8+$0x0], $0xffff;
	v58 =	vmul.f32 $5.000000000e-01, v24;
	v10 =	vmul.f32 v57, v57;
	v3 =	vadd.f32 v6, v3  }
0x6e: {  	v40 =	vld.idx.msk [tilespmem:v36+s2+$0x0], $0xffff;
	v54 =	vmul.f32 $5.000000000e-01, v18;
	v59 =	vsub.f32 v8, v11;
	v6 =	vmul.f32 $1.428571490e-01, v12  }
0x6f: {  	v44 =	vld.idx.msk [tilespmem:v36+s8+$0x0], $0xffff;
	v16 =	vmul.f32 $5.000000000e-01, v27;
	v0 =	vadd.f32 v11, v8;
	v3 =	vadd.f32 v10, v3  }
0x70: {  	v36 =	vld.idx.msk [tilespmem:v37+s2+$0x0], $0xffff;
	v37 =	vor.u32 $0x16, v9;
	v11 =	vsub.f32 v19, v54;
	v19 =	vadd.f32 v54, v19  }
0x71: {  	v53 =	vld.idx.msk [tilespmem:v63+s8+$0x0], $0xffff;
	v60 =	vmul.f32 $5.000000000e-01, v26;
	v63 =	vsub.f32 v20, v16;
	v51 =	vsub.f32 v6, v58  }
0x72: {  	v8 =	vmul.f32 $1.428571490e-01, v17;
	v10 =	vadd.f32 v16, v20;
	v57 =	vadd.f32 v58, v6;
	v6 =	vpop (erf)  }
0x73: {  	v54 =	vmul.f32 v4, v4;
	v2 =	vadd.f32 v2, v3;
	v6 =	vmul.f32 v6, v35;
	v3 =	vpop (erf)  }
0x74: {  	v50 =	vld.idx.msk [tilespmem:v49+s8+$0x0], $0xffff;
	v20 =	vsub.f32 v10, v63;
	v16 =	vmul.f32 v3, v34;
	v3 =	vsub.f32 v8, v60  }
0x75: {  	v4 =	vmul.f32 $1.428571490e-01, v14;
	v62 =	vadd.f32 v6, v42;
	v6 =	vadd.f32 v46, v2;
	v46 =	vld.idx.msk [tilespmem:v49+s2+$0x0], $0xffff  }
0x76: {  	v35 =	vor.u32 $0x17, v9;
	v34 =	vor.u32 $0x18, v9;
	v49 =	vld.idx.msk [tilespmem:v52+s2+$0x0], $0xffff;
	v58 =	vadd.f32 v16, v5  }
0x77: {  	v16 =	vsub.f32 v57, v51;
	v61 =	vadd.f32 v1, v6;
	v1 =	vmax.f32 v51, v3;
	v51 =	vld.idx.msk [tilespmem:v52+s8+$0x0], $0xffff  }
0x78: {  	[tilespmem:$0x1FFD0] =	vst v21;
	v2 =	vmax.f32 v59, v11;
	v42 =	vor.u32 $0x13, v9;
	v5 =	vmin.f32 v0, v19;
	v52 =	vld.idx.msk [tilespmem:v55+s2+$0x0], $0xffff  }
0x79: {  	s11 =	simm.s32 $0x20;
	[tilespmem:$0x1FFE0] =	vst v7;
	v2 =	vsub.f32 v5, v2;
	v55 =	vld.idx.msk [tilespmem:v55+s8+$0x0], $0xffff;
	v5 =	vsub.f32 v19, v11;
	v6 =	vmul.f32 $5.000000000e-01, v36  }
.LBB2_2:
0x7a: {  	v7 =	vld [tilespmem:$0x1FF20]  }
0x7b: {  	v0 =	vsub.f32 v0, v59;
	v56 =	vmul.f32 $5.000000000e-01, v62  }
0x7c: {  	v10 =	vmin.f32 v10, v19;
	v8 =	vadd.f32 v60, v8;
	v59 =	vadd.f32 v6, v4  }
0x7d: {  	v11 =	vmax.f32 v63, v11;
	v4 =	vsub.f32 v4, v6;
	v56 =	vadd.f32 v56, v56  }
0x7e: {  	v6 =	vsub.f32 v10, v11;
	v10 =	vmul.f32 v16, v20;
	v16 =	vsub.f32 v8, v3  }
0x7f: {  	v20 =	vmin.f32 v59, v8;
	v8 =	vmin.f32 v57, v8;
	v21 =	vsub.f32 v7, v56;
	v7 =	vld [tilespmem:$0x1FF00]  }
0x80: {  	v1 =	vsub.f32 v8, v1  }
0x81: {  	v33 =	vadd.f32 v33, v61  }
0x82: {  	v6 =	vmax.f32 v6, $0.0e+00;
	v1 =	vmax.f32 v1, $0.0e+00;
	v13 =	vadd.f32 v21, v13  }
0x83: {  	v1 =	vmul.f32 v1, v6;
	v6 =	vld [tilespmem:$0x1FFA0]  }
0x84: {  	v31 =	vadd.f32 v31, v33;
	v13 =	vadd.f32 v13, v7;
	v7 =	vld [tilespmem:$0x1FF30];
	_ =	sdelay $0x1  }
0x85: {  	v21 =	vadd.f32 v25, v31;
	_ =	sdelay $0x1  }
0x86: {  	v6 =	vadd.f32 v6, v21  }
0x87: {  	v21 =	vadd.f32 v7, v54;
	v7 =	vld [tilespmem:$0x1FF90]  }
0x88: {  	v6 =	vadd.f32 v23, v6  }
0x89: {  	v2 =	vmax.f32 v2, $0.0e+00;
	v3 =	vmax.f32 v4, v3;
	v4 =	vsub.f32 v59, v4  }
0x8a: {  	v3 =	vsub.f32 v20, v3;
	v5 =	vmul.f32 v16, v5;
	v6 =	vadd.f32 v22, v6  }
0x8b: {  	v0 =	vmul.f32 v4, v0;
	v4 =	vsub.f32 v48, v53;
	v48 =	vmul.f32 $5.000000000e-01, v58  }
0x8c: {  	v3 =	vmax.f32 v3, $0.0e+00;
	v10 =	vadd.f32 v5, v10;
	v6 =	vadd.f32 v7, v6;
	v7 =	vld [tilespmem:$0x1FF50]  }
0x8d: {  	v2 =	vmul.f32 v3, v2;
	v0 =	vadd.f32 v5, v0;
	v25 =	vadd.f32 v48, v48  }
0x8e: {  	v10 =	vsub.f32 v10, v1  }
0x8f: {  	v0 =	vsub.f32 v0, v2;
	v13 =	vsub.f32 v13, v25  }
0x90: {  	(erf) = vrcp.f32 v10  }
0x91: {  	(erf) = vrcp.f32 v0;
	v0 =	vadd.f32 v13, v21;
	v21 =	vmul.f32 $5.000000000e-01, v7;
	v7 =	vld [tilespmem:$0x1FF80];
	_ =	sdelay $0x1  }
0x92: {  	v19 =	vld.idx.msk [tilespmem:v32+s2+$0x0], $0xffff  }
0x93: {  	v60 =	vld.idx.msk [tilespmem:v38+s2+$0x0], $0xffff  }
0x94: {  	v63 =	vld.idx.msk [tilespmem:v45+s8+$0x0], $0xffff  }
0x95: {  	v58 =	vmul.f32 v7, v7;
	v7 =	vld [tilespmem:$0x1FF60]  }
0x96: {  	v28 =	vld.idx.msk [tilespmem:v39+s8+$0x0], $0xffff  }
0x97: {  	v30 =	vld.idx.msk [tilespmem:v30+s2+$0x0], $0xffff  }
0x98: {  	v11 =	vld.idx.msk [tilespmem:v38+s8+$0x0], $0xffff  }
0x99: {  	v23 =	vld.idx.msk [tilespmem:v32+s8+$0x0], $0xffff  }
0x9a: {  	v6 =	vadd.f32 v7, v6;
	v7 =	vld [tilespmem:$0x1FF40]  }
0x9b: {  	v38 =	vld.idx.msk [tilespmem:v45+s2+$0x0], $0xffff  }
0x9c: {  	v61 =	vld [tilespmem:$0x1FFB0]  }
0x9d: {  	v10 =	vld.idx.msk [tilespmem:v34+s2+$0x0], $0xffff  }
0x9e: {  	v13 =	vld.idx.msk [tilespmem:v34+s8+$0x0], $0xffff  }
0x9f: {  	v34 =	vsub.f32 v19, v23;
	v23 =	vmul.f32 $5.000000000e-01, v7;
	v7 =	vld [tilespmem:$0x1FF70]  }
0xa0: {  	v33 =	vld.idx.msk [tilespmem:v41+s8+$0x0], $0xffff  }
0xa1: {  	v20 =	vld.idx.msk [tilespmem:v42+s2+$0x0], $0xffff  }
0xa2: {  	v16 =	vld.idx.msk [tilespmem:v42+s8+$0x0], $0xffff  }
0xa3: {  	v8 =	vld.idx.msk [tilespmem:v41+s2+$0x0], $0xffff  }
0xa4: {  	v6 =	vadd.f32 v7, v6;
	v7 =	vld [tilespmem:$0x1FFC0]  }
0xa5: {  	v3 =	vld.idx.msk [tilespmem:v39+s2+$0x0], $0xffff;
	v0 =	vmul.f32 $5.000000000e+00, v0  }
0xa6: {  	v59 =	vor.u32 $0x1B, v9;
	v5 =	vld.idx.msk [tilespmem:v37+s2+$0x0], $0xffff  }
0xa7: {  	v53 =	vmov v26;
	v26 =	vmul.f32 v4, v4;
	v4 =	vld.idx.msk [tilespmem:v37+s8+$0x0], $0xffff;
	v0 =	vadd.f32 v0, v58  }
0xa8: {  	v56 =	vor.u32 $0x19, v9;
	v31 =	vld.idx.msk [tilespmem:v35+s2+$0x0], $0xffff  }
0xa9: {  	v0 =	vadd.f32 v0, v23;
	vm0 =	vgt.f32 v7, $0.0e+00;
	v7 =	vld [tilespmem:$0x1FF10]  }
0xaa: {  	v41 =	vsub.f32 v40, v44;
	v44 =	vsub.f32 v38, v63;
	v62 =	vld.idx.msk [tilespmem:v61+s2+$0x0], $0xffff;
	v23 =	vpop (erf)  }
0xab: {  	v63 =	vsub.f32 v20, v16;
	v20 =	vld.idx.msk [tilespmem:v59+s2+$0x0], $0xffff;
	v1 =	vmul.f32 v23, v1;
	v23 =	vpop (erf);
	v0 =	vadd.f32 v6, v0  }
0xac: {  	v57 =	vor.u32 $0x1A, v9;
	v2 =	vmul.f32 v23, v2;
	v6 =	vld.idx.msk [tilespmem:v59+s8+$0x0], $0xffff  }
0xad: {  	v39 =	vsub.f32 v43, v47;
	v43 =	vsub.f32 v60, v11;
	v42 =	vld.idx.msk [tilespmem:v56+s8+$0x0], $0xffff;
	v0 =	vsel vm0, v0, v21  }
0xae: {  	v11 =	vor.u32 $0x1C, v9;
	v25 =	vld.idx.msk [tilespmem:v35+s8+$0x0], $0xffff;
	v7 =	vadd.f32 v0, v7;
	v0 =	vmax.f32 v2, v1  }
0xaf: {  	v9 =	vor.u32 $0x1D, v9;
	v22 =	vld.idx.msk [tilespmem:v56+s2+$0x0], $0xffff;
	vm15 =	veq.f32 v2, v0;
	vm1 =	veq.f32 v1, v0  }
0xb0: {  	v10 =	vsub.f32 v10, v13;
	[tilespmem:$0x1FF10] =	vst v7;
	v7 =	vld.idx.msk [tilespmem:v61+s8+$0x0], $0xffff;
	v2 =	vnsel vm15, $0xFF800000, v62;
	v13 =	vnsel vm1, $0xFF800000, v30  }
0xb1: {  	vm0 =	vgt.f32 v13, v2;
	v2 =	vsub.f32 v20, v6;
	v6 =	vld [tilespmem:$0x1FFD0];
	_ =	sdelay $0x1  }
0xb2: {  	v37 =	vsub.f32 v46, v50  }
0xb3: {  	v4 =	vsub.f32 v5, v4;
	v5 =	vsub.f32 v31, v25  }
0xb4: {  	v25 =	vsub.f32 v22, v42;
	v22 =	vld.idx.msk [tilespmem:v9+s2+$0x0], $0xffff;
	[tilespmem:$0x1FFC0] =	vst v7;
	v7 =	vsel vm0, v27, v29  }
0xb5: {  	v6 =	vsel vm0, v15, v6;
	v15 =	vadd.f32 v7, v18;
	v50 =	vmul.f32 v7, v18;
	v7 =	vld.idx.msk [tilespmem:v9+s8+$0x0], $0xffff  }
0xb6: {  	v9 =	vsel vm0, v12, v14;
	v14 =	vld [tilespmem:$0x1FFE0];
	_ =	sdelay $0x1  }
0xb7: {  	v3 =	vsub.f32 v3, v28  }
0xb8: {  	v28 =	vmul.f32 v62, v62;
	v1 =	vmul.f32 v30, v30;
	v13 =	vsel vm0, v24, v36  }
0xb9: {  	v35 =	vsub.f32 v49, v51;
	v49 =	vmul.f32 v13, v53  }
0xba: {  	v1 =	vadd.f32 v1, v28;
	v36 =	vsub.f32 v6, v14;
	v6 =	vshra.s32 v50, $0x1  }
0xbb: {  	v14 =	vshra.s32 v49, $0x1;
	v6 =	vadd.s32 $0x1FBD1DF5, v6  }
0xbc: {  	[tilespmem:$0x1FF50] =	vst v1;
	v1 =	vsub.f32 v9, v17;
	v9 =	vadd.s32 $0x1FBD1DF5, v14;
	(erf) = vrcp.f32 v6  }
0xbd: {  	(erf) = vrcp.f32 v9  }
0xbe: {  	v23 =	vld.idx.msk [tilespmem:v11+s2+$0x0], $0xffff  }
0xbf: {  	v11 =	vld.idx.msk [tilespmem:v11+s8+$0x0], $0xffff;
	v12 =	vsel vm0, v30, v62  }
0xc0: {  	v0 =	vsub.f32 v12, v0;
	_ =	sdelay $0x1  }
0xc1: {  	[tilespmem:$0x1FF80] =	vst v0;
	v0 =	vmul.f32 v1, v1;
	v14 =	vsel vm0, v62, v30  }
0xc2: {  	v1 =	vmul.f32 v14, v14  }
0xc3: {  	[tilespmem:$0x1FF30] =	vst v0;
	v0 =	vsub.f32 v23, v11  }
0xc4: {  	v16 =	vld.idx.msk [tilespmem:v57+s8+$0x0], $0xffff;
	[tilespmem:$0x1FF40] =	vst v1;
	v1 =	vsub.f32 v22, v7;
	v7 =	vpop (erf)  }
0xc5: {  	v19 =	vld.idx.msk [tilespmem:v57+s2+$0x0], $0xffff;
	v0 =	vmul.f32 v0, v0;
	v7 =	vmul.f32 v7, v50;
	v11 =	vpop (erf)  }
0xc6: {  	v8 =	vsub.f32 v8, v33;
	v11 =	vmul.f32 v11, v49  }
0xc7: {  	v31 =	vmul.f32 v4, v4;
	v4 =	vld [tilespmem:$0x1FFF0];
	[tilespmem:$0x1FF60] =	vst v0;
	v0 =	vmul.f32 v1, v1;
	v6 =	vadd.f32 v6, v7  }
0xc8: {  	v33 =	vmul.f32 v3, v3;
	v1 =	vmul.f32 v2, v2;
	v7 =	vadd.f32 v9, v11  }
0xc9: {  	s12 =	smov.u32 s11;
	v56 =	vmul.f32 v8, v8;
	[tilespmem:$0x1FF70] =	vst v0;
	v0 =	vmul.f32 $5.000000000e-01, v6  }
0xca: {  	v16 =	vsub.f32 v19, v16;
	v2 =	vmov s12;
	[tilespmem:$0x1FF90] =	vst v1;
	v1 =	vmul.f32 $5.000000000e-01, v7  }
0xcb: {  	v58 =	vmul.f32 v63, v63;
	v2 =	vshll.u32 v2, $0x5;
	(erf) = vrcp.f32 v0  }
0xcc: {  	v28 =	vmul.f32 v16, v16;
	v9 =	vor.u32 v4, v2;
	(erf) = vrcp.f32 v1  }
0xcd: {  	v20 =	vmul.f32 v44, v44;
	v6 =	vmul.f32 v10, v10;
	v10 =	vor.u32 $0x7, v9  }
0xce: {  	v40 =	vsub.f32 v52, v55;
	v17 =	vmul.f32 v39, v39;
	v23 =	vmul.f32 v25, v25  }
0xcf: {  	v25 =	vmul.f32 v5, v5;
	v14 =	vmul.f32 v41, v41;
	v4 =	vor.u32 $0x8, v9  }
0xd0: {  	v54 =	vmul.f32 v36, v36;
	v2 =	vor.u32 $0x1, v9;
	v3 =	vor.u32 $0x2, v9  }
0xd1: {  	v5 =	vor.u32 $0x3, v9;
	v8 =	vor.u32 $0x6, v9;
	v30 =	vor.u32 $0x9, v9;
	v21 =	vld.idx.msk [tilespmem:v9+s2+$0x0], $0xffff  }
0xd2: {  	v11 =	vor.u32 $0xA, v9;
	v16 =	vor.u32 $0xB, v9;
	v19 =	vor.u32 $0xC, v9;
	v27 =	vld.idx.msk [tilespmem:v10+s2+$0x0], $0xffff  }
0xd3: {  	[tilespmem:$0x1FF20] =	vst v15;
	v51 =	vor.u32 $0xD, v9;
	v52 =	vor.u32 $0xE, v9;
	v55 =	vor.u32 $0xF, v9;
	v7 =	vld.idx.msk [tilespmem:v9+s8+$0x0], $0xffff  }
0xd4: {  	v32 =	vor.u32 $0x10, v9;
	v38 =	vor.u32 $0x11, v9;
	[tilespmem:$0x1FFA0] =	vst v6;
	v6 =	vor.u32 $0x4, v9;
	v24 =	vld.idx.msk [tilespmem:v4+s2+$0x0], $0xffff;
	v12 =	vpop (erf)  }
0xd5: {  	v45 =	vor.u32 $0x12, v9;
	[tilespmem:$0x1FFB0] =	vst v6;
	v6 =	vor.u32 $0x5, v9;
	v18 =	vld.idx.msk [tilespmem:v3+s8+$0x0], $0xffff;
	v4 =	vmul.f32 v12, v50;
	v15 =	vpop (erf)  }
0xd6: {  	v42 =	vor.u32 $0x13, v9;
	v12 =	vld.idx.msk [tilespmem:v8+s2+$0x0], $0xffff;
	v8 =	vmul.f32 v15, v49;
	v15 =	vadd.f32 v14, v26  }
0xd7: {  	v29 =	vld.idx.msk [tilespmem:v3+s2+$0x0], $0xffff;
	v3 =	vmul.f32 v40, v40;
	v10 =	vmul.f32 $5.000000000e-01, v27;
	v0 =	vadd.f32 v4, v0  }
0xd8: {  	v36 =	vld.idx.msk [tilespmem:v5+s2+$0x0], $0xffff;
	v1 =	vadd.f32 v8, v1;
	v4 =	vadd.f32 v17, v15;
	v8 =	vmul.f32 v37, v37  }
0xd9: {  	v41 =	vor.u32 $0x14, v9;
	v57 =	vmul.f32 $5.000000000e-01, v24;
	v14 =	vld.idx.msk [tilespmem:v2+s2+$0x0], $0xffff;
	v61 =	vmul.f32 $5.000000000e-01, v0  }
0xda: {  	v15 =	vld.idx.msk [tilespmem:v6+s2+$0x0], $0xffff;
	v6 =	vmul.f32 $5.000000000e-01, v1;
	v0 =	vadd.f32 v8, v4;
	v1 =	vmul.f32 v35, v35  }
0xdb: {  	v39 =	vor.u32 $0x15, v9;
	v26 =	vld.idx.msk [tilespmem:v5+s8+$0x0], $0xffff;
	v5 =	vmul.f32 $5.000000000e-01, v18;
	(erf) = vrcp.f32 v61  }
0xdc: {  	v17 =	vld.idx.msk [tilespmem:v2+s8+$0x0], $0xffff;
	v2 =	vmul.f32 v43, v43;
	v0 =	vadd.f32 v1, v0;
	(erf) = vrcp.f32 v6  }
0xdd: {  	v37 =	vor.u32 $0x16, v9;
	v43 =	vmul.f32 $5.000000000e-01, v29;
	v8 =	vmul.f32 $1.428571490e-01, v21  }
0xde: {  	v48 =	vld.idx.msk [tilespmem:v11+s2+$0x0], $0xffff;
	v46 =	vmul.f32 $1.428571490e-01, v12;
	v0 =	vadd.f32 v3, v0;
	v3 =	vmul.f32 v34, v34  }
0xdf: {  	[tilespmem:$0x1FF00] =	vst v53;
	v53 =	vld.idx.msk [tilespmem:v11+s8+$0x0], $0xffff;
	v35 =	vor.u32 $0x17, v9;
	v59 =	vsub.f32 v8, v43;
	v11 =	vmul.f32 $1.428571490e-01, v15  }
0xe0: {  	v40 =	vld.idx.msk [tilespmem:v16+s2+$0x0], $0xffff;
	v1 =	vmul.f32 $1.428571490e-01, v7;
	v62 =	vsub.f32 v46, v57;
	v3 =	vadd.f32 v3, v0  }
0xe1: {  	v44 =	vld.idx.msk [tilespmem:v16+s8+$0x0], $0xffff;
	v4 =	vmul.f32 $1.428571490e-01, v14;
	v57 =	vadd.f32 v57, v46;
	v63 =	vsub.f32 v11, v10  }
0xe2: {  	v47 =	vld.idx.msk [tilespmem:v19+s8+$0x0], $0xffff;
	v60 =	vmul.f32 $5.000000000e-01, v26;
	v10 =	vadd.f32 v10, v11;
	v11 =	vsub.f32 v1, v5  }
0xe3: {  	[tilespmem:$0x1FFD0] =	vst v21;
	v46 =	vld.idx.msk [tilespmem:v51+s2+$0x0], $0xffff;
	v0 =	vadd.f32 v43, v8;
	v8 =	vmul.f32 $1.428571490e-01, v17;
	v2 =	vadd.f32 v2, v3  }
0xe4: {  	p0 =	sne.s32 s11, $0x300;
	[tilespmem:$0x1FFE0] =	vst v7;
	v34 =	vor.u32 $0x18, v9;
	v43 =	vld.idx.msk [tilespmem:v19+s2+$0x0], $0xffff;
	v19 =	vadd.f32 v5, v1;
	v22 =	vmax.f32 v59, v11;
	v3 =	vpop (erf)  }
.Ltmp0:
0xe5: {  	v2 =	vadd.f32 v20, v2;
	v21 =	vmul.f32 v3, v50;
	v16 =	vpop (erf);
	v3 =	vsub.f32 v8, v60;
	v50 =	vld.idx.msk [tilespmem:v51+s8+$0x0], $0xffff;
	(pc) =	sbr.rel @p0 .LBB2_2-.Ltmp0, $4  }
0xe6: {  	v5 =	vsub.f32 v19, v11;
	v51 =	vld.idx.msk [tilespmem:v52+s8+$0x0], $0xffff;
	v7 =	vmul.f32 v16, v49;
	v16 =	vsub.f32 v57, v62  }
0xe7: {  	v49 =	vld.idx.msk [tilespmem:v52+s2+$0x0], $0xffff;
	v1 =	vmax.f32 v62, v3;
	v62 =	vadd.f32 v21, v61;
	v21 =	vadd.f32 v58, v2  }
0xe8: {  	v20 =	vsub.f32 v10, v63;
	v52 =	vld.idx.msk [tilespmem:v55+s2+$0x0], $0xffff;
	v2 =	vmin.f32 v0, v19;
	v58 =	vadd.f32 v7, v6  }
0xe9: {  	s11 =	sadd.s32 $0x10, s11;
	v55 =	vld.idx.msk [tilespmem:v55+s8+$0x0], $0xffff;
	v6 =	vmul.f32 $5.000000000e-01, v36;
	v2 =	vsub.f32 v2, v22;
	v22 =	vmovc v28;
	v61 =	vadd.f32 v56, v21  }
0xea: {  	v7 =	vadd.f32 v60, v8;
	v0 =	vsub.f32 v0, v59  }
0xeb: {  	v28 =	vmin.f32 v10, v19;
	v56 =	vmax.f32 v63, v11;
	v59 =	vadd.f32 v6, v4  }
0xec: {  	v60 =	vsub.f32 v4, v6;
	v8 =	vsub.f32 v28, v56;
	v63 =	vmin.f32 v57, v7  }
0xed: {  	v28 =	vmul.f32 v16, v20;
	v19 =	vsub.f32 v7, v3;
	v1 =	vsub.f32 v63, v1  }
0xee: {  	v7 =	vmin.f32 v59, v7;
	v21 =	vmax.f32 v60, v3;
	v4 =	vsub.f32 v59, v60  }
0xef: {  	v2 =	vmax.f32 v2, $0.0e+00;
	v3 =	vsub.f32 v7, v21;
	v5 =	vmul.f32 v19, v5  }
0xf0: {  	v56 =	vmax.f32 v8, $0.0e+00;
	v1 =	vmax.f32 v1, $0.0e+00;
	v0 =	vmul.f32 v4, v0  }
0xf1: {  	v1 =	vmul.f32 v1, v56;
	v3 =	vmax.f32 v3, $0.0e+00;
	v57 =	vadd.f32 v5, v28  }
0xf2: {  	v2 =	vmul.f32 v3, v2;
	v0 =	vadd.f32 v5, v0  }
0xf3: {  	v59 =	vsub.f32 v57, v1  }
0xf4: {  	v0 =	vsub.f32 v0, v2  }
0xf5: {  	(erf) = vrcp.f32 v59  }
0xf6: {  	(erf) = vrcp.f32 v0  }
0xf7: {  	v59 =	vld [tilespmem:$0x1FFB0];
	_ =	sdelay $0x6  }
0xf8: {  	v30 =	vld.idx.msk [tilespmem:v30+s2+$0x0], $0xffff;
	v60 =	vpop (erf)  }
0xf9: {  	v56 =	vld.idx.msk [tilespmem:v59+s2+$0x0], $0xffff;
	v63 =	vpop (erf)  }
0xfa: {  	v0 =	vmul.f32 v60, v1;
	v6 =	vmul.f32 v63, v2;
	_ =	sdelay $0x1  }
0xfb: {  	v57 =	vmax.f32 v6, v0  }
0xfc: {  	vm0 =	veq.f32 v6, v57;
	vm1 =	veq.f32 v0, v57  }
0xfd: {  	v7 =	vnsel vm0, $0xFF800000, v56;
	v8 =	vnsel vm1, $0xFF800000, v30  }
0xfe: {  	vm0 =	vgt.f32 v8, v7  }
0xff: {  	v0 =	vsel vm0, v27, v29  }
0x100: {  	v1 =	vmul.f32 v0, v18;
	_ =	sdelay $0x1  }
0x101: {  	v10 =	vshra.s32 v1, $0x1  }
0x102: {  	v2 =	vadd.s32 $0x1FBD1DF5, v10  }
0x103: {  	(erf) = vrcp.f32 v2  }
0x104: {  	v24 =	vsel vm0, v24, v36  }
0x105: {  	v3 =	vmul.f32 v24, v26;
	_ =	sdelay $0x1  }
0x106: {  	v11 =	vshra.s32 v3, $0x1  }
0x107: {  	v4 =	vadd.s32 $0x1FBD1DF5, v11  }
0x108: {  	(erf) = vrcp.f32 v4;
	_ =	sdelay $0x2  }
0x109: {  	v16 =	vpop (erf)  }
0x10a: {  	v5 =	vmul.f32 v16, v1;
	_ =	sdelay $0x1  }
0x10b: {  	v2 =	vadd.f32 v2, v5;
	_ =	sdelay $0x1  }
0x10c: {  	v2 =	vmul.f32 $5.000000000e-01, v2  }
0x10d: {  	v21 =	vpop (erf)  }
0x10e: {  	v20 =	vadd.f32 v33, v61;
	v28 =	vld [tilespmem:$0x1FFA0];
	v7 =	vmul.f32 v21, v3;
	(erf) = vrcp.f32 v2  }
0x10f: {  	v27 =	vld [tilespmem:$0x1FF20]  }
0x110: {  	v33 =	vld.idx.msk [tilespmem:v38+s8+$0x0], $0xffff;
	v19 =	vmul.f32 $5.000000000e-01, v62;
	v6 =	vadd.f32 v31, v20;
	v4 =	vadd.f32 v4, v7  }
0x111: {  	v10 =	vld.idx.msk [tilespmem:v38+s2+$0x0], $0xffff  }
0x112: {  	v6 =	vadd.f32 v25, v6;
	v38 =	vld [tilespmem:$0x1FF30];
	v5 =	vadd.f32 v19, v19;
	v4 =	vmul.f32 $5.000000000e-01, v4  }
0x113: {  	v61 =	vld.idx.msk [tilespmem:v32+s8+$0x0], $0xffff;
	v29 =	vsub.f32 v48, v53;
	v48 =	vsub.f32 v40, v44  }
0x114: {  	v62 =	vld [tilespmem:$0x1FF90];
	v6 =	vadd.f32 v28, v6;
	v5 =	vsub.f32 v27, v5;
	(erf) = vrcp.f32 v4  }
0x115: {  	v60 =	vsub.f32 v46, v50;
	v31 =	vld [tilespmem:$0x1FF00];
	v8 =	vmul.f32 v29, v29  }
0x116: {  	v46 =	vld.idx.msk [tilespmem:v37+s8+$0x0], $0xffff;
	v6 =	vadd.f32 v23, v6;
	v19 =	vmul.f32 v48, v48;
	v5 =	vadd.f32 v5, v13  }
0x117: {  	v63 =	vld.idx.msk [tilespmem:v41+s2+$0x0], $0xffff;
	v13 =	vadd.f32 v38, v54;
	v54 =	vmul.f32 $5.000000000e-01, v58;
	v58 =	vsub.f32 v43, v47;
	v53 =	vpop (erf)  }
0x118: {  	v25 =	vld.idx.msk [tilespmem:v42+s2+$0x0], $0xffff;
	v28 =	vsub.f32 v49, v51;
	v20 =	vmul.f32 v53, v1  }
0x119: {  	v6 =	vadd.f32 v22, v6;
	v7 =	vld.idx.msk [tilespmem:v32+s2+$0x0], $0xffff;
	v8 =	vadd.f32 v19, v8;
	v23 =	vmul.f32 v58, v58  }
0x11a: {  	v36 =	vld.idx.msk [tilespmem:v41+s8+$0x0], $0xffff;
	v5 =	vadd.f32 v5, v31;
	v2 =	vadd.f32 v20, v2  }
0x11b: {  	v40 =	vld.idx.msk [tilespmem:v39+s2+$0x0], $0xffff;
	v27 =	vmul.f32 v60, v60;
	v22 =	vadd.f32 v54, v54;
	v8 =	vadd.f32 v23, v8  }
0x11c: {  	v49 =	vld [tilespmem:$0x1FF80];
	v10 =	vsub.f32 v10, v33;
	v38 =	vsub.f32 v52, v55;
	v2 =	vmul.f32 $5.000000000e-01, v2  }
0x11d: {  	v28 =	vmul.f32 v28, v28;
	v16 =	vld.idx.msk [tilespmem:v45+s2+$0x0], $0xffff;
	v5 =	vsub.f32 v5, v22;
	v8 =	vadd.f32 v27, v8;
	v43 =	vpop (erf)  }
0x11e: {  	v21 =	vld.idx.msk [tilespmem:v45+s8+$0x0], $0xffff;
	v7 =	vsub.f32 v7, v61;
	v45 =	vmul.f32 v43, v3;
	(erf) = vrcp.f32 v2  }
0x11f: {  	v44 =	vld.idx.msk [tilespmem:v37+s2+$0x0], $0xffff;
	v5 =	vadd.f32 v5, v13;
	v13 =	vmul.f32 v38, v38;
	v8 =	vadd.f32 v28, v8  }
0x120: {  	v50 =	vor.u32 $0x1A, v9;
	v37 =	vor.u32 $0x1C, v9;
	v20 =	vld.idx.msk [tilespmem:v42+s8+$0x0], $0xffff;
	v4 =	vadd.f32 v45, v4  }
0x121: {  	v10 =	vmul.f32 v10, v10;
	v60 =	vld [tilespmem:$0x1FF40];
	v7 =	vmul.f32 v7, v7;
	v8 =	vadd.f32 v13, v8  }
0x122: {  	v41 =	vld [tilespmem:$0x1FF60];
	v12 =	vsel vm0, v12, v14;
	v32 =	vmul.f32 v49, v49;
	v4 =	vmul.f32 $5.000000000e-01, v4  }
0x123: {  	v51 =	vld.idx.msk [tilespmem:v35+s8+$0x0], $0xffff;
	v47 =	vor.u32 $0x19, v9;
	v16 =	vsub.f32 v16, v21;
	v7 =	vadd.f32 v7, v8  }
0x124: {  	v0 =	vadd.f32 v0, v18;
	v5 =	vmul.f32 $5.000000000e+00, v5;
	v42 =	vld.idx.msk [tilespmem:v39+s8+$0x0], $0xffff;
	(erf) = vrcp.f32 v4  }
0x125: {  	v48 =	vld.idx.msk [tilespmem:v35+s2+$0x0], $0xffff;
	v16 =	vmul.f32 v16, v16;
	v7 =	vadd.f32 v10, v7;
	v20 =	vsub.f32 v25, v20  }
0x126: {  	v6 =	vadd.f32 v62, v6;
	v52 =	vld.idx.msk [tilespmem:v34+s2+$0x0], $0xffff;
	v35 =	vmul.f32 $5.000000000e-01, v60;
	v5 =	vadd.f32 v5, v32  }
0x127: {  	v55 =	vld [tilespmem:$0x1FF70];
	v22 =	vsub.f32 v63, v36;
	v7 =	vadd.f32 v16, v7;
	v29 =	vmul.f32 v20, v20;
	v62 =	vpop (erf)  }
0x128: {  	v12 =	vsub.f32 v12, v17;
	v58 =	vld.idx.msk [tilespmem:v47+s2+$0x0], $0xffff;
	v5 =	vadd.f32 v5, v35;
	v1 =	vmul.f32 v62, v1  }
0x129: {  	v61 =	vld.idx.msk [tilespmem:v47+s8+$0x0], $0xffff;
	v35 =	vmul.f32 v22, v22;
	v28 =	vsub.f32 v40, v42;
	v7 =	vadd.f32 v29, v7  }
0x12a: {  	v11 =	vsub.f32 v44, v46;
	v54 =	vor.u32 $0x1B, v9;
	v53 =	vld.idx.msk [tilespmem:v34+s8+$0x0], $0xffff;
	v1 =	vadd.f32 v1, v2  }
0x12b: {  	v44 =	vld [tilespmem:$0x1FFD0];
	v6 =	vadd.f32 v41, v6;
	v39 =	vmul.f32 v28, v28;
	v7 =	vadd.f32 v35, v7  }
0x12c: {  	v11 =	vmul.f32 v11, v11;
	v19 =	vsub.f32 v48, v51;
	v63 =	vld.idx.msk [tilespmem:v50+s2+$0x0], $0xffff;
	v1 =	vmul.f32 $5.000000000e-01, v1  }
0x12d: {  	v41 =	vor.u32 $0x1D, v9;
	v6 =	vadd.f32 v55, v6;
	v47 =	vld [tilespmem:$0x1FFE0];
	v7 =	vadd.f32 v39, v7;
	v40 =	vpop (erf)  }
0x12e: {  	v13 =	vld.idx.msk [tilespmem:v50+s8+$0x0], $0xffff;
	v38 =	vsub.f32 v58, v61;
	v3 =	vmul.f32 v40, v3;
	v1 =	vadd.f32 v1, v1  }
0x12f: {  	v31 =	vld.idx.msk [tilespmem:v54+s2+$0x0], $0xffff;
	v43 =	vmul.f32 v19, v19;
	v36 =	vsub.f32 v52, v53;
	v7 =	vadd.f32 v11, v7  }
0x130: {  	v12 =	vmul.f32 v12, v12;
	v8 =	vld.idx.msk [tilespmem:v54+s8+$0x0], $0xffff;
	v3 =	vadd.f32 v3, v4;
	v0 =	vsub.f32 v0, v1  }
0x131: {  	v45 =	vld.idx.msk [tilespmem:v37+s8+$0x0], $0xffff;
	v46 =	vmul.f32 v36, v36;
	v11 =	vsel vm0, v15, v44;
	v7 =	vadd.f32 v43, v7  }
0x132: {  	v42 =	vld.idx.msk [tilespmem:v37+s2+$0x0], $0xffff;
	v11 =	vsub.f32 v11, v47;
	v3 =	vmul.f32 $5.000000000e-01, v3;
	v0 =	vadd.f32 v0, v24  }
0x133: {  	v48 =	vmul.f32 v38, v38;
	v10 =	vsub.f32 v63, v13;
	v7 =	vadd.f32 v46, v7  }
0x134: {  	v49 =	vld.idx.msk [tilespmem:v41+s2+$0x0], $0xffff;
	v11 =	vmul.f32 v11, v11;
	v3 =	vadd.f32 v3, v3;
	v0 =	vadd.f32 v0, v26  }
0x135: {  	v50 =	vmul.f32 v10, v10;
	v2 =	vsub.f32 v31, v8;
	v7 =	vadd.f32 v48, v7;
	v1 =	vld.idx.msk [tilespmem:v41+s8+$0x0], $0xffff  }
0x136: {  	v53 =	vsel vm0, v30, v56;
	v51 =	vadd.f32 v12, v11;
	v0 =	vsub.f32 v0, v3  }
0x137: {  	v4 =	vsub.f32 v42, v45;
	v2 =	vmul.f32 v2, v2;
	v52 =	vadd.f32 v50, v7  }
0x138: {  	v54 =	vsel vm0, v56, v30;
	v7 =	vsub.f32 v53, v57;
	v0 =	vadd.f32 v0, v51  }
0x139: {  	v60 =	vld [tilespmem:$0x1FF50];
	v55 =	vmul.f32 v54, v54;
	v4 =	vmul.f32 v4, v4;
	v2 =	vadd.f32 v2, v52  }
0x13a: {  	v61 =	vld [tilespmem:$0x1FFC0];
	v7 =	vmul.f32 v7, v7;
	v1 =	vsub.f32 v49, v1;
	v0 =	vmul.f32 $5.000000000e+00, v0  }
0x13b: {  	v59 =	vld.idx.msk [tilespmem:v59+s8+$0x0], $0xffff;
	v58 =	vmul.f32 v30, v30;
	v57 =	vmul.f32 v56, v56;
	v2 =	vadd.f32 v4, v2  }
0x13c: {  	v63 =	vld [tilespmem:$0x1FF10];
	v3 =	vmul.f32 $5.000000000e-01, v55;
	v1 =	vmul.f32 v1, v1;
	v0 =	vadd.f32 v0, v7  }
0x13d: {  	v5 =	vadd.f32 v6, v5;
	v4 =	vadd.f32 v58, v57  }
0x13e: {  	v1 =	vadd.f32 v1, v2;
	v2 =	vmul.f32 $5.000000000e-01, v60;
	v0 =	vadd.f32 v0, v3  }
0x13f: {  	vm14 =	vgt.f32 v61, $0.0e+00  }
0x140: {  	v62 =	vmul.f32 $5.000000000e-01, v4;
	v2 =	vsel vm14, v5, v2;
	v0 =	vadd.f32 v1, v0  }
0x141: {  	vm15 =	vgt.f32 v59, $0.0e+00;
	v2 =	vadd.f32 v2, v63  }
0x142: {  	v0 =	vsel vm15, v0, v62  }
0x143: {  	s10 =	sadd.s32 $0x1, s10;
	v0 =	vadd.f32 v0, v2  }
0x144: {  	p0 =	sne.s32 s10, s6  }
.Ltmp1:
0x145: {  	[tilespmem:$0xC400] =	vst v0;
	(pc) =	sbr.rel @p0 .LBB2_1-.Ltmp1, $4  }
0x146: {  	[hbm4b:s5+s2] =	stream.linear.scatter [tilespmem:s9], [sflag:$0x1], $0x10, $0x38;
	[tilespmem:$0xC410] =	vst v63  }
0x147: {  	_ =	swait.ge [sflag:s7], $0x10  }
0x148: {  	[sflag:s7] =	ssyncset.done $0x0;
	v52 =	vld [tilespmem:$0x1FFF0]  }
0x149: {  	[sflag:s7] =	ssyncadd.s32 $0xFFFFFFF0  }
0x14a: {  	_ =	sfence.sel $0x180000  }
0x14b: {  	[bflag:$0x0] =	sbarrier.arrive $0xFFFF  }
0x14c: {  	p0 =	sne.s32 s0, $0x0;
	_ =	strace $0x90000047  }
0x14d: {  	s0 =	sadd.s32 @!p0 $0x100000, s1;
	[bflag:$0x2] =	sbarrier.arrive $0xFFFF  }
0x14e: {  	[sflag:s0] =	ssyncadd.tile.s32 @!p0 $0x1;
	_ =	shalt  }
.Lfunc_end2:
_tile_overlayer_lowered:
.L_overlay_start_2:
0x14f: {  	(tag) =	ssettag $0x2  }
0x150: {  	s0 =	rddreg [dreg:$0x0];
	s2 =	stileid.u32  }
0x151: {  	s1 =	rddreg [dreg:$0x1];
	p0 =	sne.s32 s2, $0x0  }
0x152: {  	s3 =	rddreg [dreg:$0x2];
	[bflag:$0x3] =	sbarrier.arrive $0xFFFF;
	s2 =	simm.s32 @!p0 $0x1C01  }
0x153: {  	[timem:s3], [sflag:s2] =	dma.local @!p0 [hbm:s0], s1  }
0x154: {  	s0 =	simm.s32 @!p0 $0x1  }
0x155: {  	_ =	swait.ge @!p0 [sflag:s0], s1  }
0x156: {  	s1 =	ssub.s32 @!p0 $0x0, s1;
	[sflag:s0] =	ssyncset.done @!p0 $0x0  }
0x157: {  	[sflag:s0] =	ssyncadd.s32 @!p0 s1  }
0x158: {  	[bflag:$0x3] =	sbarrier.arrive $0xFFFF  }
0x159: {  	_ =	shalt  }

</sc_bundles>
